<compile_context>
chip_gen: v7x
topology: tpu7x:2x2x1
jax: 0.10.2.dev20260603
libtpu: 0.0.44.dev20260713+nightly
codegen_flags: <defaults>
</compile_context>

<pallas_src>
import functools

import jax
import jax.numpy as jnp
from jax import lax
from jax.experimental import pallas as pl
from jax.experimental.pallas import tpu as pltpu
from jax.experimental.pallas import tpu_sc as plsc

B, W, P, D = 4, 1024, 8192, 64
WBLK = 1024
PBLK = 4096
NP = P // PBLK
LANES = 128
NT = PBLK // LANES
NTILES = P // LANES
KPAD = 72

ALPHA_C = 1.0
BETA_C = 0.5

NC, NS, L = 2, 16, 16
NW = NC * NS
RPW = (B * W) // NW
GROUPS = RPW // L


def _argmin_body(w_ref, bp_ref, bn_ref, idx_ref, pn_ref, rmin, ridx, wa_s):
    b = pl.program_id(0)
    p = pl.program_id(1)

    @pl.when(p == 0)
    def _init():
        rmin[...] = jnp.full((WBLK, LANES), jnp.inf, jnp.float32)
        ridx[...] = jnp.zeros((WBLK, LANES), jnp.bfloat16)
        wa_s[:, :D] = -2.0 * w_ref[0]

    wa = wa_s[:, :D]
    rm = rmin[...]
    ri = ridx[...]
    for t in range(NT):
        lo, hi = t * LANES, (t + 1) * LANES
        blk = bp_ref[0, :, lo:hi]
        ab = lax.dot_general(wa, blk, (((1,), (0,)), ((), ())),
                             preferred_element_type=jnp.float32)
        tile = ab + jnp.sum(blk * blk, axis=0, keepdims=True)
        tid = (p * NT + t).astype(jnp.bfloat16)
        better = tile < rm
        rm = jnp.where(better, tile, rm)
        ri = jnp.where(better, tid, ri)
    rmin[...] = rm
    ridx[...] = ri

    pn_ref[0] = jnp.concatenate([bp_ref[0].T, bn_ref[0].T], axis=1)

    @pl.when(p == NP - 1)
    def _emit():
        lanef = lax.broadcasted_iota(
            jnp.int32, (WBLK, LANES), 1).astype(jnp.float32)
        colf = ri.astype(jnp.float32) * jnp.float32(LANES) + lanef
        m = jnp.min(rm, axis=1, keepdims=True)
        csel = jnp.where(rm == m, colf, jnp.float32(3e38))
        cmin = jnp.min(csel, axis=1, keepdims=True)
        idx_ref[0] = cmin.astype(jnp.int32) + b * P


def _nn_indices(waypoints, boundarypoints, boundarynormals):
    return pl.pallas_call(
        _argmin_body,
        grid=(B, NP),
        in_specs=[
            pl.BlockSpec((1, W, D), lambda b, p: (b, 0, 0)),
            pl.BlockSpec((1, D, PBLK), lambda b, p: (b, 0, p)),
            pl.BlockSpec((1, D, PBLK), lambda b, p: (b, 0, p)),
        ],
        out_specs=[
            pl.BlockSpec((1, WBLK, 1), lambda b, p: (b, 0, 0)),
            pl.BlockSpec((1, PBLK, 2 * D), lambda b, p: (b, p, 0)),
        ],
        out_shape=[
            jax.ShapeDtypeStruct((B, W, 1), jnp.int32),
            jax.ShapeDtypeStruct((B, P, 2 * D), jnp.float32),
        ],
        scratch_shapes=[
            pltpu.VMEM((W, LANES), jnp.float32),
            pltpu.VMEM((W, LANES), jnp.bfloat16),
            pltpu.VMEM((W, KPAD), jnp.float32),
        ],
        compiler_params=pltpu.CompilerParams(
            dimension_semantics=("arbitrary", "arbitrary")),
    )(waypoints, boundarypoints, boundarynormals)


def _sc_loss_body(way_hbm, pn_hbm, idx_hbm, out_hbm,
                  idx_v, wbuf, pnbuf, tot_v, sem1):
    wid = lax.axis_index("s") * NC + lax.axis_index("c")
    base = wid * RPW
    pltpu.sync_copy(idx_hbm.at[pl.ds(base, RPW)], idx_v)
    cp1 = pltpu.async_copy(pn_hbm.at[idx_v], pnbuf, sem1)
    pltpu.sync_copy(way_hbm.at[pl.ds(base, RPW)], wbuf)
    cp1.wait()

    lane = lax.iota(jnp.int32, 16)

    def group(g, tot):
        def row(j, dpvec):
            r = g * L + j
            acc = jnp.zeros((L,), jnp.float32)
            for c in range(D // L):
                sl = pl.ds(c * L, L)
                nsl = pl.ds(D + c * L, L)
                acc = acc + (wbuf[r, sl] - pnbuf[r, sl]) * pnbuf[r, nsl]
            dp = jnp.sum(acc)
            return jnp.where(lane == j, dp, dpvec)

        dpvec = lax.fori_loop(0, L, row, jnp.zeros((L,), jnp.float32),
                              unroll=4)
        er = jnp.where(dpvec > 0.0, ALPHA_C * dpvec,
                       jnp.exp(BETA_C * dpvec) - 1.0)
        return tot + er

    tot = lax.fori_loop(0, GROUPS, group, jnp.zeros((L,), jnp.float32))
    tot_v[...] = tot
    pltpu.sync_copy(tot_v, out_hbm.at[wid])


def _sc_loss_partials(way_flat, pn_flat, idx_flat):
    mesh = plsc.VectorSubcoreMesh(core_axis_name="c", subcore_axis_name="s")
    return pl.kernel(
        _sc_loss_body,
        out_type=jax.ShapeDtypeStruct((NW, L), jnp.float32),
        mesh=mesh,
        scratch_types=[
            pltpu.VMEM((RPW,), jnp.int32),
            pltpu.VMEM((RPW, D), jnp.float32),
            pltpu.VMEM((RPW, 2 * D), jnp.float32),
            pltpu.VMEM((L,), jnp.float32),
            pltpu.SemaphoreType.DMA,
        ],
        compiler_params=pltpu.CompilerParams(needs_layout_passes=False),
    )(way_flat, pn_flat, idx_flat)


def _reduce_body(part_ref, out_ref):
    out_ref[...] = jnp.sum(part_ref[...], keepdims=True) * (1.0 / (B * W))


def _reduce_mean(partials):
    return pl.pallas_call(
        _reduce_body,
        out_shape=jax.ShapeDtypeStruct((1, 1), jnp.float32),
    )(partials)


def kernel(waypoints, boundarypoints, boundarynormals):
    idx, pn = _nn_indices(waypoints,
                          jnp.transpose(boundarypoints, (0, 2, 1)),
                          jnp.transpose(boundarynormals, (0, 2, 1)))
    idx_flat = idx.reshape(B * W)
    way_flat = waypoints.reshape(B * W, D)
    pn_flat = pn.reshape(B * P, 2 * D)
    partials = _sc_loss_partials(way_flat, pn_flat, idx_flat)
    return _reduce_mean(partials)[0, 0]

# --- scband reference (transcript-rebuilt; emitter-appended) ---
"""Pipeline reference for scband-boundary-loss-13984413516001 (READ-ONLY COPY).

The authoritative reference and input builder live on the scoring server;
editing this copy changes nothing except your own understanding.
"""

import jax, jax.numpy as jnp
import numpy as np

ALPHA = 1.0
BETA = 0.5


def setup_inputs(seed: int = 0) -> dict:
    key = jax.random.key(seed)
    k1, k2, k3 = jax.random.split(key, 3)
    waypoints = jax.random.normal(k1, (4, 1024, 64), dtype=jnp.float32)
    boundarypoints = jax.random.normal(k2, (4, 8192, 64), dtype=jnp.float32)
    boundarynormals = jax.random.normal(k3, (4, 8192, 64), dtype=jnp.float32)
    return {"waypoints": waypoints, "boundarypoints": boundarypoints, "boundarynormals": boundarynormals}


def _cdist(a, b):
    # batched euclidean distance matrix, [B, W, P]
    a2 = jnp.sum(a * a, axis=-1)  # [B, W]
    b2 = jnp.sum(b * b, axis=-1)  # [B, P]
    ab = jnp.einsum('bwd,bpd->bwp', a, b)
    d2 = jnp.maximum(a2[:, :, None] + b2[:, None, :] - 2.0 * ab, 0.0)
    return jnp.sqrt(d2)


def reference(waypoints, boundarypoints, boundarynormals):
    dist = _cdist(waypoints, boundarypoints)           # [B, W, P]
    idx = jnp.argmin(dist, axis=2)                     # [B, W] int
    # gather closest boundary points / normals per batch (1-NN retrieval)
    gather = jax.vmap(lambda tbl, i: jnp.take(tbl, i, axis=0))
    closest_pts = gather(boundarypoints, idx)          # [B, W, D]
    closest_nrm = gather(boundarynormals, idx)         # [B, W, D]
    delta = waypoints - closest_pts
    dot_prods = jnp.sum(delta * closest_nrm, axis=2)   # [B, W]
    # ExpRelu
    dp_relu = jnp.where(dot_prods > 0.0, ALPHA * dot_prods, jnp.exp(BETA * dot_prods) - 1.0)
    # time reduction: mean over dim 1; batch reduction: mean
    per_batch = jnp.mean(dp_relu, axis=1)
    return jnp.mean(per_batch)

if __name__ == "__main__":
    import jax
    _d = setup_inputs()
    print(jax.jit(kernel)(*tuple(_d.values())))

</pallas_src>

<mosaic_0001>
#map = affine_map<(d0, d1) -> (0, 0)>
#map1 = affine_map<(d0, d1) -> (0)>
module attributes {stable_mosaic.version = 14 : i64} {
  func.func @_sc_loss_body(%arg0: i32, %arg1: i32, %arg2: memref<4096x64xf32, #tpu.memory_space<hbm>>, %arg3: memref<32768x128xf32, #tpu.memory_space<hbm>>, %arg4: memref<4096xi32, #tpu.memory_space<hbm>>, %arg5: memref<32x16xf32, #tpu.memory_space<hbm>>, %arg6: memref<128xi32, #tpu.memory_space<vmem>>, %arg7: memref<128x64xf32, #tpu.memory_space<vmem>>, %arg8: memref<128x128xf32, #tpu.memory_space<vmem>>, %arg9: memref<16xf32, #tpu.memory_space<vmem>>, %arg10: memref<!tpu.dma_semaphore, #tpu.memory_space<semaphore_mem>>) attributes {dimension_semantics = [#tpu.dimension_semantics<core_parallel>, #tpu.dimension_semantics<subcore_parallel>], iteration_bounds = array<i64: 2, 16>, scalar_prefetch = 0 : i64, scratch_operands = 5 : i64, tpu.core_type = #tpu.core_type<sc_vector_subcore>, window_params = [{transform_indices = #map}, {transform_indices = #map}, {transform_indices = #map1}, {transform_indices = #map}]} {
    %mul3A = arith.constant 2 : i32
    %mul3A_0 = arith.muli %arg1, %mul3A : i32
    %add3A = arith.addi %mul3A_0, %arg0 : i32
    %mul3A_1 = arith.constant 128 : i32
    %mul3A_2 = arith.muli %add3A, %mul3A_1 : i32
    "tpu.region"() ({
      %run_scoped3A = tpu.sem_alloc : memref<!tpu.dma_semaphore, #tpu.memory_space<semaphore_mem>>
      %dma_start3A_14 = tpu.memref_slice %arg4[%mul3A_2] : memref<4096xi32, #tpu.memory_space<hbm>> -> memref<128xi32, #tpu.memory_space<hbm>>
      %dma_start3A_15 = tpu.memref_slice %arg4[%mul3A_2] : memref<4096xi32, #tpu.memory_space<hbm>> -> memref<128xi32, #tpu.memory_space<hbm>>
      tpu.enqueue_dma source(%dma_start3A_15 : memref<128xi32, #tpu.memory_space<hbm>>) target(%arg6 : memref<128xi32, #tpu.memory_space<vmem>>) target_semaphore(%run_scoped3A : memref<!tpu.dma_semaphore, #tpu.memory_space<semaphore_mem>>)
      %dma_wait3A_16 = tpu.memref_slice %arg4[%mul3A_2] : memref<4096xi32, #tpu.memory_space<hbm>> -> memref<128xi32, #tpu.memory_space<hbm>>
      %dma_wait3A_17 = tpu.memref_slice %arg4[%mul3A_2] : memref<4096xi32, #tpu.memory_space<hbm>> -> memref<128xi32, #tpu.memory_space<hbm>>
      tpu.wait_dma2 semaphore(%run_scoped3A : memref<!tpu.dma_semaphore, #tpu.memory_space<semaphore_mem>>) src(%dma_wait3A_17 : memref<128xi32, #tpu.memory_space<hbm>>) dst(%arg6 : memref<128xi32, #tpu.memory_space<vmem>>)
      tpu.yield
    }) : () -> ()
    %dma_start3A = arith.constant 0 : i32
    %dma_start3A_3 = arith.constant 0 : i32
    %dma_start3A_4 = tpu.memref_slice %arg3[%dma_start3A, %dma_start3A_3] : memref<32768x128xf32, #tpu.memory_space<hbm>> -> memref<32768x128xf32, #tpu.memory_space<hbm>>
    tpu.enqueue_indirect_dma source(%dma_start3A_4 : memref<32768x128xf32, #tpu.memory_space<hbm>>) target(%arg8 : memref<128x128xf32, #tpu.memory_space<vmem>>) offsets(%arg6 : memref<128xi32, #tpu.memory_space<vmem>>) semaphore(%arg10 : memref<!tpu.dma_semaphore, #tpu.memory_space<semaphore_mem>>)
    "tpu.region"() ({
      %run_scoped3A = tpu.sem_alloc : memref<!tpu.dma_semaphore, #tpu.memory_space<semaphore_mem>>
      %dma_start3A_14 = arith.constant 0 : i32
      %dma_start3A_15 = tpu.memref_slice %arg2[%mul3A_2, %dma_start3A_14] : memref<4096x64xf32, #tpu.memory_space<hbm>> -> memref<128x64xf32, #tpu.memory_space<hbm>>
      %dma_start3A_16 = arith.constant 0 : i32
      %dma_start3A_17 = tpu.memref_slice %arg2[%mul3A_2, %dma_start3A_16] : memref<4096x64xf32, #tpu.memory_space<hbm>> -> memref<128x64xf32, #tpu.memory_space<hbm>>
      tpu.enqueue_dma source(%dma_start3A_17 : memref<128x64xf32, #tpu.memory_space<hbm>>) target(%arg7 : memref<128x64xf32, #tpu.memory_space<vmem>>) target_semaphore(%run_scoped3A : memref<!tpu.dma_semaphore, #tpu.memory_space<semaphore_mem>>)
      %dma_wait3A_18 = arith.constant 0 : i32
      %dma_wait3A_19 = tpu.memref_slice %arg2[%mul3A_2, %dma_wait3A_18] : memref<4096x64xf32, #tpu.memory_space<hbm>> -> memref<128x64xf32, #tpu.memory_space<hbm>>
      %dma_wait3A_20 = arith.constant 0 : i32
      %dma_wait3A_21 = tpu.memref_slice %arg2[%mul3A_2, %dma_wait3A_20] : memref<4096x64xf32, #tpu.memory_space<hbm>> -> memref<128x64xf32, #tpu.memory_space<hbm>>
      tpu.wait_dma2 semaphore(%run_scoped3A : memref<!tpu.dma_semaphore, #tpu.memory_space<semaphore_mem>>) src(%dma_wait3A_21 : memref<128x64xf32, #tpu.memory_space<hbm>>) dst(%arg7 : memref<128x64xf32, #tpu.memory_space<vmem>>)
      tpu.yield
    }) : () -> ()
    %dma_wait3A = arith.constant 0 : i32
    %dma_wait3A_5 = arith.constant 0 : i32
    %dma_wait3A_6 = tpu.memref_slice %arg3[%dma_wait3A, %dma_wait3A_5] : memref<32768x128xf32, #tpu.memory_space<hbm>> -> memref<32768x128xf32, #tpu.memory_space<hbm>>
    tpu.wait_indirect_dma semaphore(%arg10 : memref<!tpu.dma_semaphore, #tpu.memory_space<semaphore_mem>>) src(%dma_wait3A_6 : memref<32768x128xf32, #tpu.memory_space<hbm>>) dst(%arg8 : memref<128x128xf32, #tpu.memory_space<vmem>>)
    %iota3A = tpu.iota {dimensions = array<i32: 0>} : vector<16xi32>
    %broadcast_in_dim3A = arith.constant 0.000000e+00 : f32
    %broadcast_in_dim3A_7 = vector.broadcast %broadcast_in_dim3A : f32 to vector<16xf32>
    %scan3A = arith.constant 0 : i32
    %scan3A_8 = arith.constant 8 : i32
    %scan3A_9 = arith.addi %scan3A, %scan3A_8 : i32
    %scan3A_10 = arith.constant 1 : i32
    %scan3A_11 = scf.for %scan3A_14 = %scan3A to %scan3A_9 step %scan3A_10 iter_args(%scan3A_15 = %broadcast_in_dim3A_7) -> (vector<16xf32>)  : i32 {
      %broadcast_in_dim3A_16 = arith.constant 0.000000e+00 : f32
      %broadcast_in_dim3A_17 = vector.broadcast %broadcast_in_dim3A_16 : f32 to vector<16xf32>
      %scan3A_18 = arith.constant 0 : i32
      %scan3A_19 = arith.constant 16 : i32
      %scan3A_20 = arith.addi %scan3A_18, %scan3A_19 : i32
      %scan3A_21 = arith.constant 4 : i32
      %scan3A_22 = scf.for %scan3A_35 = %scan3A_18 to %scan3A_20 step %scan3A_21 iter_args(%scan3A_36 = %broadcast_in_dim3A_17) -> (vector<16xf32>)  : i32 {
        %mul3A_37 = arith.constant 16 : i32
        %mul3A_38 = arith.muli %scan3A_14, %mul3A_37 : i32
        %add3A_39 = arith.addi %mul3A_38, %scan3A_35 : i32
        %broadcast_in_dim3A_40 = arith.constant 0.000000e+00 : f32
        %broadcast_in_dim3A_41 = vector.broadcast %broadcast_in_dim3A_40 : f32 to vector<16xf32>
        %get3A = arith.index_cast %add3A_39 : i32 to index
        %get3A_42 = arith.constant 0 : index
        %get3A_43 = tpu.vector_load %arg7[%get3A, %get3A_42] {strides = array<i32>} : memref<128x64xf32, #tpu.memory_space<vmem>>, vector<16xf32>,
        %get3A_44 = arith.index_cast %add3A_39 : i32 to index
        %get3A_45 = arith.constant 0 : index
        %get3A_46 = tpu.vector_load %arg8[%get3A_44, %get3A_45] {strides = array<i32>} : memref<128x128xf32, #tpu.memory_space<vmem>>, vector<16xf32>,
        %sub3A_47 = arith.subf %get3A_43, %get3A_46 : vector<16xf32>
        %get3A_48 = arith.index_cast %add3A_39 : i32 to index
        %get3A_49 = arith.constant 64 : index
        %get3A_50 = tpu.vector_load %arg8[%get3A_48, %get3A_49] {strides = array<i32>} : memref<128x128xf32, #tpu.memory_space<vmem>>, vector<16xf32>,
        %mul3A_51 = arith.mulf %sub3A_47, %get3A_50 : vector<16xf32>
        %add3A_52 = arith.addf %broadcast_in_dim3A_41, %mul3A_51 : vector<16xf32>
        %get3A_53 = arith.index_cast %add3A_39 : i32 to index
        %get3A_54 = arith.constant 16 : index
        %get3A_55 = tpu.vector_load %arg7[%get3A_53, %get3A_54] {strides = array<i32>} : memref<128x64xf32, #tpu.memory_space<vmem>>, vector<16xf32>,
        %get3A_56 = arith.index_cast %add3A_39 : i32 to index
        %get3A_57 = arith.constant 16 : index
        %get3A_58 = tpu.vector_load %arg8[%get3A_56, %get3A_57] {strides = array<i32>} : memref<128x128xf32, #tpu.memory_space<vmem>>, vector<16xf32>,
        %sub3A_59 = arith.subf %get3A_55, %get3A_58 : vector<16xf32>
        %get3A_60 = arith.index_cast %add3A_39 : i32 to index
        %get3A_61 = arith.constant 80 : index
        %get3A_62 = tpu.vector_load %arg8[%get3A_60, %get3A_61] {strides = array<i32>} : memref<128x128xf32, #tpu.memory_space<vmem>>, vector<16xf32>,
        %mul3A_63 = arith.mulf %sub3A_59, %get3A_62 : vector<16xf32>
        %add3A_64 = arith.addf %add3A_52, %mul3A_63 : vector<16xf32>
        %get3A_65 = arith.index_cast %add3A_39 : i32 to index
        %get3A_66 = arith.constant 32 : index
        %get3A_67 = tpu.vector_load %arg7[%get3A_65, %get3A_66] {strides = array<i32>} : memref<128x64xf32, #tpu.memory_space<vmem>>, vector<16xf32>,
        %get3A_68 = arith.index_cast %add3A_39 : i32 to index
        %get3A_69 = arith.constant 32 : index
        %get3A_70 = tpu.vector_load %arg8[%get3A_68, %get3A_69] {strides = array<i32>} : memref<128x128xf32, #tpu.memory_space<vmem>>, vector<16xf32>,
        %sub3A_71 = arith.subf %get3A_67, %get3A_70 : vector<16xf32>
        %get3A_72 = arith.index_cast %add3A_39 : i32 to index
        %get3A_73 = arith.constant 96 : index
        %get3A_74 = tpu.vector_load %arg8[%get3A_72, %get3A_73] {strides = array<i32>} : memref<128x128xf32, #tpu.memory_space<vmem>>, vector<16xf32>,
        %mul3A_75 = arith.mulf %sub3A_71, %get3A_74 : vector<16xf32>
        %add3A_76 = arith.addf %add3A_64, %mul3A_75 : vector<16xf32>
        %get3A_77 = arith.index_cast %add3A_39 : i32 to index
        %get3A_78 = arith.constant 48 : index
        %get3A_79 = tpu.vector_load %arg7[%get3A_77, %get3A_78] {strides = array<i32>} : memref<128x64xf32, #tpu.memory_space<vmem>>, vector<16xf32>,
        %get3A_80 = arith.index_cast %add3A_39 : i32 to index
        %get3A_81 = arith.constant 48 : index
        %get3A_82 = tpu.vector_load %arg8[%get3A_80, %get3A_81] {strides = array<i32>} : memref<128x128xf32, #tpu.memory_space<vmem>>, vector<16xf32>,
        %sub3A_83 = arith.subf %get3A_79, %get3A_82 : vector<16xf32>
        %get3A_84 = arith.index_cast %add3A_39 : i32 to index
        %get3A_85 = arith.constant 112 : index
        %get3A_86 = tpu.vector_load %arg8[%get3A_84, %get3A_85] {strides = array<i32>} : memref<128x128xf32, #tpu.memory_space<vmem>>, vector<16xf32>,
        %mul3A_87 = arith.mulf %sub3A_83, %get3A_86 : vector<16xf32>
        %add3A_88 = arith.addf %add3A_76, %mul3A_87 : vector<16xf32>
        %reduce_sum3A = arith.constant true
        %reduce_sum3A_89 = vector.broadcast %reduce_sum3A : i1 to vector<16xi1>
        %reduce_sum3A_90 = tpu.scan <sum>, %add3A_88 masked %reduce_sum3A_89 : vector<16xf32>, vector<16xi1> -> vector<16xf32>
        %reduce_sum3A_91 = vector.extract %reduce_sum3A_90[15] : f32 from vector<16xf32>
        %eq3A = vector.broadcast %scan3A_35 : i32 to vector<16xi32>
        %eq3A_92 = arith.cmpi eq, %iota3A, %eq3A : vector<16xi32>
        %broadcast_in_dim3A_93 = vector.broadcast %reduce_sum3A_91 : f32 to vector<16xf32>
        %select_n3A_94 = arith.select %eq3A_92, %broadcast_in_dim3A_93, %scan3A_36 : vector<16xi1>, vector<16xf32>
        %scan3A_95 = arith.constant 1 : i32
        %scan3A_96 = arith.addi %scan3A_35, %scan3A_95 : i32
        %mul3A_97 = arith.constant 16 : i32
        %mul3A_98 = arith.muli %scan3A_14, %mul3A_97 : i32
        %add3A_99 = arith.addi %mul3A_98, %scan3A_96 : i32
        %broadcast_in_dim3A_100 = arith.constant 0.000000e+00 : f32
        %broadcast_in_dim3A_101 = vector.broadcast %broadcast_in_dim3A_100 : f32 to vector<16xf32>
        %get3A_102 = arith.index_cast %add3A_99 : i32 to index
        %get3A_103 = arith.constant 0 : index
        %get3A_104 = tpu.vector_load %arg7[%get3A_102, %get3A_103] {strides = array<i32>} : memref<128x64xf32, #tpu.memory_space<vmem>>, vector<16xf32>,
        %get3A_105 = arith.index_cast %add3A_99 : i32 to index
        %get3A_106 = arith.constant 0 : index
        %get3A_107 = tpu.vector_load %arg8[%get3A_105, %get3A_106] {strides = array<i32>} : memref<128x128xf32, #tpu.memory_space<vmem>>, vector<16xf32>,
        %sub3A_108 = arith.subf %get3A_104, %get3A_107 : vector<16xf32>
        %get3A_109 = arith.index_cast %add3A_99 : i32 to index
        %get3A_110 = arith.constant 64 : index
        %get3A_111 = tpu.vector_load %arg8[%get3A_109, %get3A_110] {strides = array<i32>} : memref<128x128xf32, #tpu.memory_space<vmem>>, vector<16xf32>,
        %mul3A_112 = arith.mulf %sub3A_108, %get3A_111 : vector<16xf32>
        %add3A_113 = arith.addf %broadcast_in_dim3A_101, %mul3A_112 : vector<16xf32>
        %get3A_114 = arith.index_cast %add3A_99 : i32 to index
        %get3A_115 = arith.constant 16 : index
        %get3A_116 = tpu.vector_load %arg7[%get3A_114, %get3A_115] {strides = array<i32>} : memref<128x64xf32, #tpu.memory_space<vmem>>, vector<16xf32>,
        %get3A_117 = arith.index_cast %add3A_99 : i32 to index
        %get3A_118 = arith.constant 16 : index
        %get3A_119 = tpu.vector_load %arg8[%get3A_117, %get3A_118] {strides = array<i32>} : memref<128x128xf32, #tpu.memory_space<vmem>>, vector<16xf32>,
        %sub3A_120 = arith.subf %get3A_116, %get3A_119 : vector<16xf32>
        %get3A_121 = arith.index_cast %add3A_99 : i32 to index
        %get3A_122 = arith.constant 80 : index
        %get3A_123 = tpu.vector_load %arg8[%get3A_121, %get3A_122] {strides = array<i32>} : memref<128x128xf32, #tpu.memory_space<vmem>>, vector<16xf32>,
        %mul3A_124 = arith.mulf %sub3A_120, %get3A_123 : vector<16xf32>
        %add3A_125 = arith.addf %add3A_113, %mul3A_124 : vector<16xf32>
        %get3A_126 = arith.index_cast %add3A_99 : i32 to index
        %get3A_127 = arith.constant 32 : index
        %get3A_128 = tpu.vector_load %arg7[%get3A_126, %get3A_127] {strides = array<i32>} : memref<128x64xf32, #tpu.memory_space<vmem>>, vector<16xf32>,
        %get3A_129 = arith.index_cast %add3A_99 : i32 to index
        %get3A_130 = arith.constant 32 : index
        %get3A_131 = tpu.vector_load %arg8[%get3A_129, %get3A_130] {strides = array<i32>} : memref<128x128xf32, #tpu.memory_space<vmem>>, vector<16xf32>,
        %sub3A_132 = arith.subf %get3A_128, %get3A_131 : vector<16xf32>
        %get3A_133 = arith.index_cast %add3A_99 : i32 to index
        %get3A_134 = arith.constant 96 : index
        %get3A_135 = tpu.vector_load %arg8[%get3A_133, %get3A_134] {strides = array<i32>} : memref<128x128xf32, #tpu.memory_space<vmem>>, vector<16xf32>,
        %mul3A_136 = arith.mulf %sub3A_132, %get3A_135 : vector<16xf32>
        %add3A_137 = arith.addf %add3A_125, %mul3A_136 : vector<16xf32>
        %get3A_138 = arith.index_cast %add3A_99 : i32 to index
        %get3A_139 = arith.constant 48 : index
        %get3A_140 = tpu.vector_load %arg7[%get3A_138, %get3A_139] {strides = array<i32>} : memref<128x64xf32, #tpu.memory_space<vmem>>, vector<16xf32>,
        %get3A_141 = arith.index_cast %add3A_99 : i32 to index
        %get3A_142 = arith.constant 48 : index
        %get3A_143 = tpu.vector_load %arg8[%get3A_141, %get3A_142] {strides = array<i32>} : memref<128x128xf32, #tpu.memory_space<vmem>>, vector<16xf32>,
        %sub3A_144 = arith.subf %get3A_140, %get3A_143 : vector<16xf32>
        %get3A_145 = arith.index_cast %add3A_99 : i32 to index
        %get3A_146 = arith.constant 112 : index
        %get3A_147 = tpu.vector_load %arg8[%get3A_145, %get3A_146] {strides = array<i32>} : memref<128x128xf32, #tpu.memory_space<vmem>>, vector<16xf32>,
        %mul3A_148 = arith.mulf %sub3A_144, %get3A_147 : vector<16xf32>
        %add3A_149 = arith.addf %add3A_137, %mul3A_148 : vector<16xf32>
        %reduce_sum3A_150 = arith.constant true
        %reduce_sum3A_151 = vector.broadcast %reduce_sum3A_150 : i1 to vector<16xi1>
        %reduce_sum3A_152 = tpu.scan <sum>, %add3A_149 masked %reduce_sum3A_151 : vector<16xf32>, vector<16xi1> -> vector<16xf32>
        %reduce_sum3A_153 = vector.extract %reduce_sum3A_152[15] : f32 from vector<16xf32>
        %eq3A_154 = vector.broadcast %scan3A_96 : i32 to vector<16xi32>
        %eq3A_155 = arith.cmpi eq, %iota3A, %eq3A_154 : vector<16xi32>
        %broadcast_in_dim3A_156 = vector.broadcast %reduce_sum3A_153 : f32 to vector<16xf32>
        %select_n3A_157 = arith.select %eq3A_155, %broadcast_in_dim3A_156, %select_n3A_94 : vector<16xi1>, vector<16xf32>
        %scan3A_158 = arith.constant 2 : i32
        %scan3A_159 = arith.addi %scan3A_35, %scan3A_158 : i32
        %mul3A_160 = arith.constant 16 : i32
        %mul3A_161 = arith.muli %scan3A_14, %mul3A_160 : i32
        %add3A_162 = arith.addi %mul3A_161, %scan3A_159 : i32
        %broadcast_in_dim3A_163 = arith.constant 0.000000e+00 : f32
        %broadcast_in_dim3A_164 = vector.broadcast %broadcast_in_dim3A_163 : f32 to vector<16xf32>
        %get3A_165 = arith.index_cast %add3A_162 : i32 to index
        %get3A_166 = arith.constant 0 : index
        %get3A_167 = tpu.vector_load %arg7[%get3A_165, %get3A_166] {strides = array<i32>} : memref<128x64xf32, #tpu.memory_space<vmem>>, vector<16xf32>,
        %get3A_168 = arith.index_cast %add3A_162 : i32 to index
        %get3A_169 = arith.constant 0 : index
        %get3A_170 = tpu.vector_load %arg8[%get3A_168, %get3A_169] {strides = array<i32>} : memref<128x128xf32, #tpu.memory_space<vmem>>, vector<16xf32>,
        %sub3A_171 = arith.subf %get3A_167, %get3A_170 : vector<16xf32>
        %get3A_172 = arith.index_cast %add3A_162 : i32 to index
        %get3A_173 = arith.constant 64 : index
        %get3A_174 = tpu.vector_load %arg8[%get3A_172, %get3A_173] {strides = array<i32>} : memref<128x128xf32, #tpu.memory_space<vmem>>, vector<16xf32>,
        %mul3A_175 = arith.mulf %sub3A_171, %get3A_174 : vector<16xf32>
        %add3A_176 = arith.addf %broadcast_in_dim3A_164, %mul3A_175 : vector<16xf32>
        %get3A_177 = arith.index_cast %add3A_162 : i32 to index
        %get3A_178 = arith.constant 16 : index
        %get3A_179 = tpu.vector_load %arg7[%get3A_177, %get3A_178] {strides = array<i32>} : memref<128x64xf32, #tpu.memory_space<vmem>>, vector<16xf32>,
        %get3A_180 = arith.index_cast %add3A_162 : i32 to index
        %get3A_181 = arith.constant 16 : index
        %get3A_182 = tpu.vector_load %arg8[%get3A_180, %get3A_181] {strides = array<i32>} : memref<128x128xf32, #tpu.memory_space<vmem>>, vector<16xf32>,
        %sub3A_183 = arith.subf %get3A_179, %get3A_182 : vector<16xf32>
        %get3A_184 = arith.index_cast %add3A_162 : i32 to index
        %get3A_185 = arith.constant 80 : index
        %get3A_186 = tpu.vector_load %arg8[%get3A_184, %get3A_185] {strides = array<i32>} : memref<128x128xf32, #tpu.memory_space<vmem>>, vector<16xf32>,
        %mul3A_187 = arith.mulf %sub3A_183, %get3A_186 : vector<16xf32>
        %add3A_188 = arith.addf %add3A_176, %mul3A_187 : vector<16xf32>
        %get3A_189 = arith.index_cast %add3A_162 : i32 to index
        %get3A_190 = arith.constant 32 : index
        %get3A_191 = tpu.vector_load %arg7[%get3A_189, %get3A_190] {strides = array<i32>} : memref<128x64xf32, #tpu.memory_space<vmem>>, vector<16xf32>,
        %get3A_192 = arith.index_cast %add3A_162 : i32 to index
        %get3A_193 = arith.constant 32 : index
        %get3A_194 = tpu.vector_load %arg8[%get3A_192, %get3A_193] {strides = array<i32>} : memref<128x128xf32, #tpu.memory_space<vmem>>, vector<16xf32>,
        %sub3A_195 = arith.subf %get3A_191, %get3A_194 : vector<16xf32>
        %get3A_196 = arith.index_cast %add3A_162 : i32 to index
        %get3A_197 = arith.constant 96 : index
        %get3A_198 = tpu.vector_load %arg8[%get3A_196, %get3A_197] {strides = array<i32>} : memref<128x128xf32, #tpu.memory_space<vmem>>, vector<16xf32>,
        %mul3A_199 = arith.mulf %sub3A_195, %get3A_198 : vector<16xf32>
        %add3A_200 = arith.addf %add3A_188, %mul3A_199 : vector<16xf32>
        %get3A_201 = arith.index_cast %add3A_162 : i32 to index
        %get3A_202 = arith.constant 48 : index
        %get3A_203 = tpu.vector_load %arg7[%get3A_201, %get3A_202] {strides = array<i32>} : memref<128x64xf32, #tpu.memory_space<vmem>>, vector<16xf32>,
        %get3A_204 = arith.index_cast %add3A_162 : i32 to index
        %get3A_205 = arith.constant 48 : index
        %get3A_206 = tpu.vector_load %arg8[%get3A_204, %get3A_205] {strides = array<i32>} : memref<128x128xf32, #tpu.memory_space<vmem>>, vector<16xf32>,
        %sub3A_207 = arith.subf %get3A_203, %get3A_206 : vector<16xf32>
        %get3A_208 = arith.index_cast %add3A_162 : i32 to index
        %get3A_209 = arith.constant 112 : index
        %get3A_210 = tpu.vector_load %arg8[%get3A_208, %get3A_209] {strides = array<i32>} : memref<128x128xf32, #tpu.memory_space<vmem>>, vector<16xf32>,
        %mul3A_211 = arith.mulf %sub3A_207, %get3A_210 : vector<16xf32>
        %add3A_212 = arith.addf %add3A_200, %mul3A_211 : vector<16xf32>
        %reduce_sum3A_213 = arith.constant true
        %reduce_sum3A_214 = vector.broadcast %reduce_sum3A_213 : i1 to vector<16xi1>
        %reduce_sum3A_215 = tpu.scan <sum>, %add3A_212 masked %reduce_sum3A_214 : vector<16xf32>, vector<16xi1> -> vector<16xf32>
        %reduce_sum3A_216 = vector.extract %reduce_sum3A_215[15] : f32 from vector<16xf32>
        %eq3A_217 = vector.broadcast %scan3A_159 : i32 to vector<16xi32>
        %eq3A_218 = arith.cmpi eq, %iota3A, %eq3A_217 : vector<16xi32>
        %broadcast_in_dim3A_219 = vector.broadcast %reduce_sum3A_216 : f32 to vector<16xf32>
        %select_n3A_220 = arith.select %eq3A_218, %broadcast_in_dim3A_219, %select_n3A_157 : vector<16xi1>, vector<16xf32>
        %scan3A_221 = arith.constant 3 : i32
        %scan3A_222 = arith.addi %scan3A_35, %scan3A_221 : i32
        %mul3A_223 = arith.constant 16 : i32
        %mul3A_224 = arith.muli %scan3A_14, %mul3A_223 : i32
        %add3A_225 = arith.addi %mul3A_224, %scan3A_222 : i32
        %broadcast_in_dim3A_226 = arith.constant 0.000000e+00 : f32
        %broadcast_in_dim3A_227 = vector.broadcast %broadcast_in_dim3A_226 : f32 to vector<16xf32>
        %get3A_228 = arith.index_cast %add3A_225 : i32 to index
        %get3A_229 = arith.constant 0 : index
        %get3A_230 = tpu.vector_load %arg7[%get3A_228, %get3A_229] {strides = array<i32>} : memref<128x64xf32, #tpu.memory_space<vmem>>, vector<16xf32>,
        %get3A_231 = arith.index_cast %add3A_225 : i32 to index
        %get3A_232 = arith.constant 0 : index
        %get3A_233 = tpu.vector_load %arg8[%get3A_231, %get3A_232] {strides = array<i32>} : memref<128x128xf32, #tpu.memory_space<vmem>>, vector<16xf32>,
        %sub3A_234 = arith.subf %get3A_230, %get3A_233 : vector<16xf32>
        %get3A_235 = arith.index_cast %add3A_225 : i32 to index
        %get3A_236 = arith.constant 64 : index
        %get3A_237 = tpu.vector_load %arg8[%get3A_235, %get3A_236] {strides = array<i32>} : memref<128x128xf32, #tpu.memory_space<vmem>>, vector<16xf32>,
        %mul3A_238 = arith.mulf %sub3A_234, %get3A_237 : vector<16xf32>
        %add3A_239 = arith.addf %broadcast_in_dim3A_227, %mul3A_238 : vector<16xf32>
        %get3A_240 = arith.index_cast %add3A_225 : i32 to index
        %get3A_241 = arith.constant 16 : index
        %get3A_242 = tpu.vector_load %arg7[%get3A_240, %get3A_241] {strides = array<i32>} : memref<128x64xf32, #tpu.memory_space<vmem>>, vector<16xf32>,
        %get3A_243 = arith.index_cast %add3A_225 : i32 to index
        %get3A_244 = arith.constant 16 : index
        %get3A_245 = tpu.vector_load %arg8[%get3A_243, %get3A_244] {strides = array<i32>} : memref<128x128xf32, #tpu.memory_space<vmem>>, vector<16xf32>,
        %sub3A_246 = arith.subf %get3A_242, %get3A_245 : vector<16xf32>
        %get3A_247 = arith.index_cast %add3A_225 : i32 to index
        %get3A_248 = arith.constant 80 : index
        %get3A_249 = tpu.vector_load %arg8[%get3A_247, %get3A_248] {strides = array<i32>} : memref<128x128xf32, #tpu.memory_space<vmem>>, vector<16xf32>,
        %mul3A_250 = arith.mulf %sub3A_246, %get3A_249 : vector<16xf32>
        %add3A_251 = arith.addf %add3A_239, %mul3A_250 : vector<16xf32>
        %get3A_252 = arith.index_cast %add3A_225 : i32 to index
        %get3A_253 = arith.constant 32 : index
        %get3A_254 = tpu.vector_load %arg7[%get3A_252, %get3A_253] {strides = array<i32>} : memref<128x64xf32, #tpu.memory_space<vmem>>, vector<16xf32>,
        %get3A_255 = arith.index_cast %add3A_225 : i32 to index
        %get3A_256 = arith.constant 32 : index
        %get3A_257 = tpu.vector_load %arg8[%get3A_255, %get3A_256] {strides = array<i32>} : memref<128x128xf32, #tpu.memory_space<vmem>>, vector<16xf32>,
        %sub3A_258 = arith.subf %get3A_254, %get3A_257 : vector<16xf32>
        %get3A_259 = arith.index_cast %add3A_225 : i32 to index
        %get3A_260 = arith.constant 96 : index
        %get3A_261 = tpu.vector_load %arg8[%get3A_259, %get3A_260] {strides = array<i32>} : memref<128x128xf32, #tpu.memory_space<vmem>>, vector<16xf32>,
        %mul3A_262 = arith.mulf %sub3A_258, %get3A_261 : vector<16xf32>
        %add3A_263 = arith.addf %add3A_251, %mul3A_262 : vector<16xf32>
        %get3A_264 = arith.index_cast %add3A_225 : i32 to index
        %get3A_265 = arith.constant 48 : index
        %get3A_266 = tpu.vector_load %arg7[%get3A_264, %get3A_265] {strides = array<i32>} : memref<128x64xf32, #tpu.memory_space<vmem>>, vector<16xf32>,
        %get3A_267 = arith.index_cast %add3A_225 : i32 to index
        %get3A_268 = arith.constant 48 : index
        %get3A_269 = tpu.vector_load %arg8[%get3A_267, %get3A_268] {strides = array<i32>} : memref<128x128xf32, #tpu.memory_space<vmem>>, vector<16xf32>,
        %sub3A_270 = arith.subf %get3A_266, %get3A_269 : vector<16xf32>
        %get3A_271 = arith.index_cast %add3A_225 : i32 to index
        %get3A_272 = arith.constant 112 : index
        %get3A_273 = tpu.vector_load %arg8[%get3A_271, %get3A_272] {strides = array<i32>} : memref<128x128xf32, #tpu.memory_space<vmem>>, vector<16xf32>,
        %mul3A_274 = arith.mulf %sub3A_270, %get3A_273 : vector<16xf32>
        %add3A_275 = arith.addf %add3A_263, %mul3A_274 : vector<16xf32>
        %reduce_sum3A_276 = arith.constant true
        %reduce_sum3A_277 = vector.broadcast %reduce_sum3A_276 : i1 to vector<16xi1>
        %reduce_sum3A_278 = tpu.scan <sum>, %add3A_275 masked %reduce_sum3A_277 : vector<16xf32>, vector<16xi1> -> vector<16xf32>
        %reduce_sum3A_279 = vector.extract %reduce_sum3A_278[15] : f32 from vector<16xf32>
        %eq3A_280 = vector.broadcast %scan3A_222 : i32 to vector<16xi32>
        %eq3A_281 = arith.cmpi eq, %iota3A, %eq3A_280 : vector<16xi32>
        %broadcast_in_dim3A_282 = vector.broadcast %reduce_sum3A_279 : f32 to vector<16xf32>
        %select_n3A_283 = arith.select %eq3A_281, %broadcast_in_dim3A_282, %select_n3A_220 : vector<16xi1>, vector<16xf32>
        scf.yield %select_n3A_283 : vector<16xf32>
      }
      %scan3A_23 = arith.constant 16 : i32
      %gt3A = arith.constant 0.000000e+00 : f32
      %gt3A_24 = vector.broadcast %gt3A : f32 to vector<16xf32>
      %gt3A_25 = arith.cmpf ogt, %scan3A_22, %gt3A_24 : vector<16xf32>
      %mul3A_26 = arith.constant 1.000000e+00 : f32
      %mul3A_27 = vector.broadcast %mul3A_26 : f32 to vector<16xf32>
      %mul3A_28 = arith.mulf %mul3A_27, %scan3A_22 : vector<16xf32>
      %mul3A_29 = arith.constant 5.000000e-01 : f32
      %mul3A_30 = vector.broadcast %mul3A_29 : f32 to vector<16xf32>
      %mul3A_31 = arith.mulf %mul3A_30, %scan3A_22 : vector<16xf32>
      %exp3A = math.exp %mul3A_31 : vector<16xf32>
      %sub3A = arith.constant 1.000000e+00 : f32
      %sub3A_32 = vector.broadcast %sub3A : f32 to vector<16xf32>
      %sub3A_33 = arith.subf %exp3A, %sub3A_32 : vector<16xf32>
      %select_n3A = arith.select %gt3A_25, %mul3A_28, %sub3A_33 : vector<16xi1>, vector<16xf32>
      %add3A_34 = arith.addf %scan3A_15, %select_n3A : vector<16xf32>
      scf.yield %add3A_34 : vector<16xf32>
    }
    %scan3A_12 = arith.constant 8 : i32
    %swap3A = arith.constant 0 : index
    %swap3A_13 = tpu.vector_load %arg9[%swap3A] {strides = array<i32>} : memref<16xf32, #tpu.memory_space<vmem>>, vector<16xf32>,
    tpu.vector_store %arg9[%swap3A], %scan3A_11 {strides = array<i32>} : memref<16xf32, #tpu.memory_space<vmem>>, vector<16xf32>,
    "tpu.region"() ({
      %run_scoped3A = tpu.sem_alloc : memref<!tpu.dma_semaphore, #tpu.memory_space<semaphore_mem>>
      %dma_start3A_14 = arith.constant 0 : i32
      %dma_start3A_15 = tpu.memref_slice %arg5[%add3A, %dma_start3A_14] : memref<32x16xf32, #tpu.memory_space<hbm>> -> memref<1x16xf32, #tpu.memory_space<hbm>>
      %dma_start3A_16 = tpu.memref_squeeze %dma_start3A_15 : memref<1x16xf32, #tpu.memory_space<hbm>> -> memref<16xf32, #tpu.memory_space<hbm>>
      %dma_start3A_17 = arith.constant 0 : i32
      %dma_start3A_18 = tpu.memref_slice %arg5[%add3A, %dma_start3A_17] : memref<32x16xf32, #tpu.memory_space<hbm>> -> memref<1x16xf32, #tpu.memory_space<hbm>>
      %dma_start3A_19 = tpu.memref_squeeze %dma_start3A_18 : memref<1x16xf32, #tpu.memory_space<hbm>> -> memref<16xf32, #tpu.memory_space<hbm>>
      tpu.enqueue_dma source(%arg9 : memref<16xf32, #tpu.memory_space<vmem>>) target(%dma_start3A_19 : memref<16xf32, #tpu.memory_space<hbm>>) target_semaphore(%run_scoped3A : memref<!tpu.dma_semaphore, #tpu.memory_space<semaphore_mem>>)
      %dma_wait3A_20 = arith.constant 0 : i32
      %dma_wait3A_21 = tpu.memref_slice %arg5[%add3A, %dma_wait3A_20] : memref<32x16xf32, #tpu.memory_space<hbm>> -> memref<1x16xf32, #tpu.memory_space<hbm>>
      %dma_wait3A_22 = tpu.memref_squeeze %dma_wait3A_21 : memref<1x16xf32, #tpu.memory_space<hbm>> -> memref<16xf32, #tpu.memory_space<hbm>>
      %dma_wait3A_23 = arith.constant 0 : i32
      %dma_wait3A_24 = tpu.memref_slice %arg5[%add3A, %dma_wait3A_23] : memref<32x16xf32, #tpu.memory_space<hbm>> -> memref<1x16xf32, #tpu.memory_space<hbm>>
      %dma_wait3A_25 = tpu.memref_squeeze %dma_wait3A_24 : memref<1x16xf32, #tpu.memory_space<hbm>> -> memref<16xf32, #tpu.memory_space<hbm>>
      tpu.wait_dma2 semaphore(%run_scoped3A : memref<!tpu.dma_semaphore, #tpu.memory_space<semaphore_mem>>) src(%arg9 : memref<16xf32, #tpu.memory_space<vmem>>) dst(%dma_wait3A_25 : memref<16xf32, #tpu.memory_space<hbm>>)
      tpu.yield
    }) : () -> ()
    return
  }
}

module attributes {stable_mosaic.version = 14 : i64} {
  func.func @_argmin_body(%arg0: i32, %arg1: i32, %arg2: memref<1x1024x64xf32, #tpu.memory_space<vmem>>, %arg3: memref<1x64x4096xf32, #tpu.memory_space<vmem>>, %arg4: memref<1x64x4096xf32, #tpu.memory_space<vmem>>, %arg5: memref<1x1024x1xi32, #tpu.memory_space<vmem>>, %arg6: memref<1x4096x128xf32, #tpu.memory_space<vmem>>, %arg7: memref<1024x128xf32, #tpu.memory_space<vmem>>, %arg8: memref<1024x128xbf16, #tpu.memory_space<vmem>>, %arg9: memref<1024x72xf32, #tpu.memory_space<vmem>>) attributes {dimension_semantics = [#tpu.dimension_semantics<arbitrary>, #tpu.dimension_semantics<arbitrary>], iteration_bounds = array<i64: 4, 2>, scalar_prefetch = 0 : i64, scratch_operands = 3 : i64, tpu.core_type = #tpu.core_type<tc>, window_params = [{transform_indices = @transform_0, window_bounds = array<i64: 1, 1024, 64>}, {transform_indices = @transform_1, window_bounds = array<i64: 1, 64, 4096>}, {transform_indices = @transform_2, window_bounds = array<i64: 1, 64, 4096>}, {transform_indices = @transform_3, window_bounds = array<i64: 1, 1024, 1>}, {transform_indices = @transform_4, window_bounds = array<i64: 1, 4096, 128>}]} {
    %eq3A = arith.constant 0 : i32
    %eq3A_0 = arith.cmpi eq, %arg1, %eq3A : i32
    %convert_element_type3A = arith.extui %eq3A_0 : i1 to i32
    %cond3A = arith.constant 0 : i32
    %cond3A_1 = arith.cmpi ne, %convert_element_type3A, %cond3A : i32
    scf.if %cond3A_1 {
      %broadcast_in_dim3A_734 = arith.constant 0x7F800000 : f32
      %broadcast_in_dim3A_735 = vector.broadcast %broadcast_in_dim3A_734 : f32 to vector<1024x128xf32>
      %swap3A_736 = arith.constant 0 : index
      %swap3A_737 = arith.constant 0 : index
      %swap3A_738 = vector.load %arg7[%swap3A_736, %swap3A_737] : memref<1024x128xf32, #tpu.memory_space<vmem>>, vector<1024x128xf32>
      tpu.vector_store %arg7[%swap3A_736, %swap3A_737], %broadcast_in_dim3A_735 {strides = array<i32>} : memref<1024x128xf32, #tpu.memory_space<vmem>>, vector<1024x128xf32>,
      %broadcast_in_dim3A_739 = arith.constant 0.000000e+00 : bf16
      %broadcast_in_dim3A_740 = vector.broadcast %broadcast_in_dim3A_739 : bf16 to vector<1024x128xbf16>
      %swap3A_741 = arith.constant 0 : index
      %swap3A_742 = arith.constant 0 : index
      %swap3A_743 = vector.load %arg8[%swap3A_741, %swap3A_742] : memref<1024x128xbf16, #tpu.memory_space<vmem>>, vector<1024x128xbf16>
      tpu.vector_store %arg8[%swap3A_741, %swap3A_742], %broadcast_in_dim3A_740 {strides = array<i32>} : memref<1024x128xbf16, #tpu.memory_space<vmem>>, vector<1024x128xbf16>,
      %get3A_744 = arith.constant 0 : index
      %get3A_745 = arith.constant 0 : index
      %get3A_746 = arith.constant 0 : index
      %get3A_747 = vector.load %arg2[%get3A_744, %get3A_745, %get3A_746] : memref<1x1024x64xf32, #tpu.memory_space<vmem>>, vector<1x1024x64xf32>
      %get3A_748 = vector.shape_cast %get3A_747 : vector<1x1024x64xf32> to vector<1024x64xf32>
      %mul3A_749 = arith.constant -2.000000e+00 : f32
      %mul3A_750 = vector.broadcast %mul3A_749 : f32 to vector<1024x64xf32>
      %mul3A_751 = arith.mulf %mul3A_750, %get3A_748 : vector<1024x64xf32>
      %swap3A_752 = arith.constant 0 : index
      %swap3A_753 = arith.constant 0 : index
      %swap3A_754 = vector.load %arg9[%swap3A_752, %swap3A_753] : memref<1024x72xf32, #tpu.memory_space<vmem>>, vector<1024x64xf32>
      tpu.vector_store %arg9[%swap3A_752, %swap3A_753], %mul3A_751 {strides = array<i32>} : memref<1024x72xf32, #tpu.memory_space<vmem>>, vector<1024x64xf32>,
    } else {
    }
    %get3A = arith.constant 0 : index
    %get3A_2 = arith.constant 0 : index
    %get3A_3 = vector.load %arg9[%get3A, %get3A_2] : memref<1024x72xf32, #tpu.memory_space<vmem>>, vector<1024x64xf32>
    %get3A_4 = arith.constant 0 : index
    %get3A_5 = arith.constant 0 : index
    %get3A_6 = vector.load %arg7[%get3A_4, %get3A_5] : memref<1024x128xf32, #tpu.memory_space<vmem>>, vector<1024x128xf32>
    %get3A_7 = arith.constant 0 : index
    %get3A_8 = arith.constant 0 : index
    %get3A_9 = vector.load %arg8[%get3A_7, %get3A_8] : memref<1024x128xbf16, #tpu.memory_space<vmem>>, vector<1024x128xbf16>
    %get3A_10 = arith.constant 0 : index
    %get3A_11 = arith.constant 0 : index
    %get3A_12 = arith.constant 0 : index
    %get3A_13 = vector.load %arg3[%get3A_10, %get3A_11, %get3A_12] : memref<1x64x4096xf32, #tpu.memory_space<vmem>>, vector<1x64x128xf32>
    %get3A_14 = vector.shape_cast %get3A_13 : vector<1x64x128xf32> to vector<64x128xf32>
    %dot_general3A = arith.constant dense<0.000000e+00> : vector<1024x128xf32>
    %dot_general3A_15 = tpu.matmul %get3A_3, %get3A_14, %dot_general3A {dimension_numbers = #tpu.dot_dimension_numbers<[1], [0], [0], [1], [0, 0, 1, 1], [], []>, transpose_lhs_hint = false} : vector<1024x64xf32>, vector<64x128xf32>, vector<1024x128xf32> -> vector<1024x128xf32>
    %mul3A = arith.mulf %get3A_14, %get3A_14 : vector<64x128xf32>
    %reduce_sum3A = arith.constant dense<0.000000e+00> : vector<128xf32>
    %reduce_sum3A_16 = vector.multi_reduction <add>, %mul3A, %reduce_sum3A [0] : vector<64x128xf32> to vector<128xf32>
    %broadcast_in_dim3A = vector.shape_cast %reduce_sum3A_16 : vector<128xf32> to vector<1x128xf32>
    %add3A = vector.broadcast %broadcast_in_dim3A : vector<1x128xf32> to vector<1024x128xf32>
    %add3A_17 = arith.addf %dot_general3A_15, %add3A : vector<1024x128xf32>
    %mul3A_18 = arith.constant 32 : i32
    %mul3A_19 = arith.muli %arg1, %mul3A_18 : i32
    %add3A_20 = arith.constant 0 : i32
    %add3A_21 = arith.addi %mul3A_19, %add3A_20 : i32
    %convert_element_type3A_22 = arith.sitofp %add3A_21 : i32 to bf16
    %lt3A = arith.cmpf olt, %add3A_17, %get3A_6 : vector<1024x128xf32>
    %select_n3A = arith.select %lt3A, %add3A_17, %get3A_6 : vector<1024x128xi1>, vector<1024x128xf32>
    %broadcast_in_dim3A_23 = vector.broadcast %convert_element_type3A_22 : bf16 to vector<1024x128xbf16>
    %select_n3A_24 = arith.select %lt3A, %broadcast_in_dim3A_23, %get3A_9 : vector<1024x128xi1>, vector<1024x128xbf16>
    %get3A_25 = arith.constant 0 : index
    %get3A_26 = arith.constant 0 : index
    %get3A_27 = arith.constant 128 : index
    %get3A_28 = vector.load %arg3[%get3A_25, %get3A_26, %get3A_27] : memref<1x64x4096xf32, #tpu.memory_space<vmem>>, vector<1x64x128xf32>
    %get3A_29 = vector.shape_cast %get3A_28 : vector<1x64x128xf32> to vector<64x128xf32>
    %dot_general3A_30 = arith.constant dense<0.000000e+00> : vector<1024x128xf32>
    %dot_general3A_31 = tpu.matmul %get3A_3, %get3A_29, %dot_general3A_30 {dimension_numbers = #tpu.dot_dimension_numbers<[1], [0], [0], [1], [0, 0, 1, 1], [], []>, transpose_lhs_hint = false} : vector<1024x64xf32>, vector<64x128xf32>, vector<1024x128xf32> -> vector<1024x128xf32>
    %mul3A_32 = arith.mulf %get3A_29, %get3A_29 : vector<64x128xf32>
    %reduce_sum3A_33 = arith.constant dense<0.000000e+00> : vector<128xf32>
    %reduce_sum3A_34 = vector.multi_reduction <add>, %mul3A_32, %reduce_sum3A_33 [0] : vector<64x128xf32> to vector<128xf32>
    %broadcast_in_dim3A_35 = vector.shape_cast %reduce_sum3A_34 : vector<128xf32> to vector<1x128xf32>
    %add3A_36 = vector.broadcast %broadcast_in_dim3A_35 : vector<1x128xf32> to vector<1024x128xf32>
    %add3A_37 = arith.addf %dot_general3A_31, %add3A_36 : vector<1024x128xf32>
    %mul3A_38 = arith.constant 32 : i32
    %mul3A_39 = arith.muli %arg1, %mul3A_38 : i32
    %add3A_40 = arith.constant 1 : i32
    %add3A_41 = arith.addi %mul3A_39, %add3A_40 : i32
    %convert_element_type3A_42 = arith.sitofp %add3A_41 : i32 to bf16
    %lt3A_43 = arith.cmpf olt, %add3A_37, %select_n3A : vector<1024x128xf32>
    %select_n3A_44 = arith.select %lt3A_43, %add3A_37, %select_n3A : vector<1024x128xi1>, vector<1024x128xf32>
    %broadcast_in_dim3A_45 = vector.broadcast %convert_element_type3A_42 : bf16 to vector<1024x128xbf16>
    %select_n3A_46 = arith.select %lt3A_43, %broadcast_in_dim3A_45, %select_n3A_24 : vector<1024x128xi1>, vector<1024x128xbf16>
    %get3A_47 = arith.constant 0 : index
    %get3A_48 = arith.constant 0 : index
    %get3A_49 = arith.constant 256 : index
    %get3A_50 = vector.load %arg3[%get3A_47, %get3A_48, %get3A_49] : memref<1x64x4096xf32, #tpu.memory_space<vmem>>, vector<1x64x128xf32>
    %get3A_51 = vector.shape_cast %get3A_50 : vector<1x64x128xf32> to vector<64x128xf32>
    %dot_general3A_52 = arith.constant dense<0.000000e+00> : vector<1024x128xf32>
    %dot_general3A_53 = tpu.matmul %get3A_3, %get3A_51, %dot_general3A_52 {dimension_numbers = #tpu.dot_dimension_numbers<[1], [0], [0], [1], [0, 0, 1, 1], [], []>, transpose_lhs_hint = false} : vector<1024x64xf32>, vector<64x128xf32>, vector<1024x128xf32> -> vector<1024x128xf32>
    %mul3A_54 = arith.mulf %get3A_51, %get3A_51 : vector<64x128xf32>
    %reduce_sum3A_55 = arith.constant dense<0.000000e+00> : vector<128xf32>
    %reduce_sum3A_56 = vector.multi_reduction <add>, %mul3A_54, %reduce_sum3A_55 [0] : vector<64x128xf32> to vector<128xf32>
    %broadcast_in_dim3A_57 = vector.shape_cast %reduce_sum3A_56 : vector<128xf32> to vector<1x128xf32>
    %add3A_58 = vector.broadcast %broadcast_in_dim3A_57 : vector<1x128xf32> to vector<1024x128xf32>
    %add3A_59 = arith.addf %dot_general3A_53, %add3A_58 : vector<1024x128xf32>
    %mul3A_60 = arith.constant 32 : i32
    %mul3A_61 = arith.muli %arg1, %mul3A_60 : i32
    %add3A_62 = arith.constant 2 : i32
    %add3A_63 = arith.addi %mul3A_61, %add3A_62 : i32
    %convert_element_type3A_64 = arith.sitofp %add3A_63 : i32 to bf16
    %lt3A_65 = arith.cmpf olt, %add3A_59, %select_n3A_44 : vector<1024x128xf32>
    %select_n3A_66 = arith.select %lt3A_65, %add3A_59, %select_n3A_44 : vector<1024x128xi1>, vector<1024x128xf32>
    %broadcast_in_dim3A_67 = vector.broadcast %convert_element_type3A_64 : bf16 to vector<1024x128xbf16>
    %select_n3A_68 = arith.select %lt3A_65, %broadcast_in_dim3A_67, %select_n3A_46 : vector<1024x128xi1>, vector<1024x128xbf16>
    %get3A_69 = arith.constant 0 : index
    %get3A_70 = arith.constant 0 : index
    %get3A_71 = arith.constant 384 : index
    %get3A_72 = vector.load %arg3[%get3A_69, %get3A_70, %get3A_71] : memref<1x64x4096xf32, #tpu.memory_space<vmem>>, vector<1x64x128xf32>
    %get3A_73 = vector.shape_cast %get3A_72 : vector<1x64x128xf32> to vector<64x128xf32>
    %dot_general3A_74 = arith.constant dense<0.000000e+00> : vector<1024x128xf32>
    %dot_general3A_75 = tpu.matmul %get3A_3, %get3A_73, %dot_general3A_74 {dimension_numbers = #tpu.dot_dimension_numbers<[1], [0], [0], [1], [0, 0, 1, 1], [], []>, transpose_lhs_hint = false} : vector<1024x64xf32>, vector<64x128xf32>, vector<1024x128xf32> -> vector<1024x128xf32>
    %mul3A_76 = arith.mulf %get3A_73, %get3A_73 : vector<64x128xf32>
    %reduce_sum3A_77 = arith.constant dense<0.000000e+00> : vector<128xf32>
    %reduce_sum3A_78 = vector.multi_reduction <add>, %mul3A_76, %reduce_sum3A_77 [0] : vector<64x128xf32> to vector<128xf32>
    %broadcast_in_dim3A_79 = vector.shape_cast %reduce_sum3A_78 : vector<128xf32> to vector<1x128xf32>
    %add3A_80 = vector.broadcast %broadcast_in_dim3A_79 : vector<1x128xf32> to vector<1024x128xf32>
    %add3A_81 = arith.addf %dot_general3A_75, %add3A_80 : vector<1024x128xf32>
    %mul3A_82 = arith.constant 32 : i32
    %mul3A_83 = arith.muli %arg1, %mul3A_82 : i32
    %add3A_84 = arith.constant 3 : i32
    %add3A_85 = arith.addi %mul3A_83, %add3A_84 : i32
    %convert_element_type3A_86 = arith.sitofp %add3A_85 : i32 to bf16
    %lt3A_87 = arith.cmpf olt, %add3A_81, %select_n3A_66 : vector<1024x128xf32>
    %select_n3A_88 = arith.select %lt3A_87, %add3A_81, %select_n3A_66 : vector<1024x128xi1>, vector<1024x128xf32>
    %broadcast_in_dim3A_89 = vector.broadcast %convert_element_type3A_86 : bf16 to vector<1024x128xbf16>
    %select_n3A_90 = arith.select %lt3A_87, %broadcast_in_dim3A_89, %select_n3A_68 : vector<1024x128xi1>, vector<1024x128xbf16>
    %get3A_91 = arith.constant 0 : index
    %get3A_92 = arith.constant 0 : index
    %get3A_93 = arith.constant 512 : index
    %get3A_94 = vector.load %arg3[%get3A_91, %get3A_92, %get3A_93] : memref<1x64x4096xf32, #tpu.memory_space<vmem>>, vector<1x64x128xf32>
    %get3A_95 = vector.shape_cast %get3A_94 : vector<1x64x128xf32> to vector<64x128xf32>
    %dot_general3A_96 = arith.constant dense<0.000000e+00> : vector<1024x128xf32>
    %dot_general3A_97 = tpu.matmul %get3A_3, %get3A_95, %dot_general3A_96 {dimension_numbers = #tpu.dot_dimension_numbers<[1], [0], [0], [1], [0, 0, 1, 1], [], []>, transpose_lhs_hint = false} : vector<1024x64xf32>, vector<64x128xf32>, vector<1024x128xf32> -> vector<1024x128xf32>
    %mul3A_98 = arith.mulf %get3A_95, %get3A_95 : vector<64x128xf32>
    %reduce_sum3A_99 = arith.constant dense<0.000000e+00> : vector<128xf32>
    %reduce_sum3A_100 = vector.multi_reduction <add>, %mul3A_98, %reduce_sum3A_99 [0] : vector<64x128xf32> to vector<128xf32>
    %broadcast_in_dim3A_101 = vector.shape_cast %reduce_sum3A_100 : vector<128xf32> to vector<1x128xf32>
    %add3A_102 = vector.broadcast %broadcast_in_dim3A_101 : vector<1x128xf32> to vector<1024x128xf32>
    %add3A_103 = arith.addf %dot_general3A_97, %add3A_102 : vector<1024x128xf32>
    %mul3A_104 = arith.constant 32 : i32
    %mul3A_105 = arith.muli %arg1, %mul3A_104 : i32
    %add3A_106 = arith.constant 4 : i32
    %add3A_107 = arith.addi %mul3A_105, %add3A_106 : i32
    %convert_element_type3A_108 = arith.sitofp %add3A_107 : i32 to bf16
    %lt3A_109 = arith.cmpf olt, %add3A_103, %select_n3A_88 : vector<1024x128xf32>
    %select_n3A_110 = arith.select %lt3A_109, %add3A_103, %select_n3A_88 : vector<1024x128xi1>, vector<1024x128xf32>
    %broadcast_in_dim3A_111 = vector.broadcast %convert_element_type3A_108 : bf16 to vector<1024x128xbf16>
    %select_n3A_112 = arith.select %lt3A_109, %broadcast_in_dim3A_111, %select_n3A_90 : vector<1024x128xi1>, vector<1024x128xbf16>
    %get3A_113 = arith.constant 0 : index
    %get3A_114 = arith.constant 0 : index
    %get3A_115 = arith.constant 640 : index
    %get3A_116 = vector.load %arg3[%get3A_113, %get3A_114, %get3A_115] : memref<1x64x4096xf32, #tpu.memory_space<vmem>>, vector<1x64x128xf32>
    %get3A_117 = vector.shape_cast %get3A_116 : vector<1x64x128xf32> to vector<64x128xf32>
    %dot_general3A_118 = arith.constant dense<0.000000e+00> : vector<1024x128xf32>
    %dot_general3A_119 = tpu.matmul %get3A_3, %get3A_117, %dot_general3A_118 {dimension_numbers = #tpu.dot_dimension_numbers<[1], [0], [0], [1], [0, 0, 1, 1], [], []>, transpose_lhs_hint = false} : vector<1024x64xf32>, vector<64x128xf32>, vector<1024x128xf32> -> vector<1024x128xf32>
    %mul3A_120 = arith.mulf %get3A_117, %get3A_117 : vector<64x128xf32>
    %reduce_sum3A_121 = arith.constant dense<0.000000e+00> : vector<128xf32>
    %reduce_sum3A_122 = vector.multi_reduction <add>, %mul3A_120, %reduce_sum3A_121 [0] : vector<64x128xf32> to vector<128xf32>
    %broadcast_in_dim3A_123 = vector.shape_cast %reduce_sum3A_122 : vector<128xf32> to vector<1x128xf32>
    %add3A_124 = vector.broadcast %broadcast_in_dim3A_123 : vector<1x128xf32> to vector<1024x128xf32>
    %add3A_125 = arith.addf %dot_general3A_119, %add3A_124 : vector<1024x128xf32>
    %mul3A_126 = arith.constant 32 : i32
    %mul3A_127 = arith.muli %arg1, %mul3A_126 : i32
    %add3A_128 = arith.constant 5 : i32
    %add3A_129 = arith.addi %mul3A_127, %add3A_128 : i32
    %convert_element_type3A_130 = arith.sitofp %add3A_129 : i32 to bf16
    %lt3A_131 = arith.cmpf olt, %add3A_125, %select_n3A_110 : vector<1024x128xf32>
    %select_n3A_132 = arith.select %lt3A_131, %add3A_125, %select_n3A_110 : vector<1024x128xi1>, vector<1024x128xf32>
    %broadcast_in_dim3A_133 = vector.broadcast %convert_element_type3A_130 : bf16 to vector<1024x128xbf16>
    %select_n3A_134 = arith.select %lt3A_131, %broadcast_in_dim3A_133, %select_n3A_112 : vector<1024x128xi1>, vector<1024x128xbf16>
    %get3A_135 = arith.constant 0 : index
    %get3A_136 = arith.constant 0 : index
    %get3A_137 = arith.constant 768 : index
    %get3A_138 = vector.load %arg3[%get3A_135, %get3A_136, %get3A_137] : memref<1x64x4096xf32, #tpu.memory_space<vmem>>, vector<1x64x128xf32>
    %get3A_139 = vector.shape_cast %get3A_138 : vector<1x64x128xf32> to vector<64x128xf32>
    %dot_general3A_140 = arith.constant dense<0.000000e+00> : vector<1024x128xf32>
    %dot_general3A_141 = tpu.matmul %get3A_3, %get3A_139, %dot_general3A_140 {dimension_numbers = #tpu.dot_dimension_numbers<[1], [0], [0], [1], [0, 0, 1, 1], [], []>, transpose_lhs_hint = false} : vector<1024x64xf32>, vector<64x128xf32>, vector<1024x128xf32> -> vector<1024x128xf32>
    %mul3A_142 = arith.mulf %get3A_139, %get3A_139 : vector<64x128xf32>
    %reduce_sum3A_143 = arith.constant dense<0.000000e+00> : vector<128xf32>
    %reduce_sum3A_144 = vector.multi_reduction <add>, %mul3A_142, %reduce_sum3A_143 [0] : vector<64x128xf32> to vector<128xf32>
    %broadcast_in_dim3A_145 = vector.shape_cast %reduce_sum3A_144 : vector<128xf32> to vector<1x128xf32>
    %add3A_146 = vector.broadcast %broadcast_in_dim3A_145 : vector<1x128xf32> to vector<1024x128xf32>
    %add3A_147 = arith.addf %dot_general3A_141, %add3A_146 : vector<1024x128xf32>
    %mul3A_148 = arith.constant 32 : i32
    %mul3A_149 = arith.muli %arg1, %mul3A_148 : i32
    %add3A_150 = arith.constant 6 : i32
    %add3A_151 = arith.addi %mul3A_149, %add3A_150 : i32
    %convert_element_type3A_152 = arith.sitofp %add3A_151 : i32 to bf16
    %lt3A_153 = arith.cmpf olt, %add3A_147, %select_n3A_132 : vector<1024x128xf32>
    %select_n3A_154 = arith.select %lt3A_153, %add3A_147, %select_n3A_132 : vector<1024x128xi1>, vector<1024x128xf32>
    %broadcast_in_dim3A_155 = vector.broadcast %convert_element_type3A_152 : bf16 to vector<1024x128xbf16>
    %select_n3A_156 = arith.select %lt3A_153, %broadcast_in_dim3A_155, %select_n3A_134 : vector<1024x128xi1>, vector<1024x128xbf16>
    %get3A_157 = arith.constant 0 : index
    %get3A_158 = arith.constant 0 : index
    %get3A_159 = arith.constant 896 : index
    %get3A_160 = vector.load %arg3[%get3A_157, %get3A_158, %get3A_159] : memref<1x64x4096xf32, #tpu.memory_space<vmem>>, vector<1x64x128xf32>
    %get3A_161 = vector.shape_cast %get3A_160 : vector<1x64x128xf32> to vector<64x128xf32>
    %dot_general3A_162 = arith.constant dense<0.000000e+00> : vector<1024x128xf32>
    %dot_general3A_163 = tpu.matmul %get3A_3, %get3A_161, %dot_general3A_162 {dimension_numbers = #tpu.dot_dimension_numbers<[1], [0], [0], [1], [0, 0, 1, 1], [], []>, transpose_lhs_hint = false} : vector<1024x64xf32>, vector<64x128xf32>, vector<1024x128xf32> -> vector<1024x128xf32>
    %mul3A_164 = arith.mulf %get3A_161, %get3A_161 : vector<64x128xf32>
    %reduce_sum3A_165 = arith.constant dense<0.000000e+00> : vector<128xf32>
    %reduce_sum3A_166 = vector.multi_reduction <add>, %mul3A_164, %reduce_sum3A_165 [0] : vector<64x128xf32> to vector<128xf32>
    %broadcast_in_dim3A_167 = vector.shape_cast %reduce_sum3A_166 : vector<128xf32> to vector<1x128xf32>
    %add3A_168 = vector.broadcast %broadcast_in_dim3A_167 : vector<1x128xf32> to vector<1024x128xf32>
    %add3A_169 = arith.addf %dot_general3A_163, %add3A_168 : vector<1024x128xf32>
    %mul3A_170 = arith.constant 32 : i32
    %mul3A_171 = arith.muli %arg1, %mul3A_170 : i32
    %add3A_172 = arith.constant 7 : i32
    %add3A_173 = arith.addi %mul3A_171, %add3A_172 : i32
    %convert_element_type3A_174 = arith.sitofp %add3A_173 : i32 to bf16
    %lt3A_175 = arith.cmpf olt, %add3A_169, %select_n3A_154 : vector<1024x128xf32>
    %select_n3A_176 = arith.select %lt3A_175, %add3A_169, %select_n3A_154 : vector<1024x128xi1>, vector<1024x128xf32>
    %broadcast_in_dim3A_177 = vector.broadcast %convert_element_type3A_174 : bf16 to vector<1024x128xbf16>
    %select_n3A_178 = arith.select %lt3A_175, %broadcast_in_dim3A_177, %select_n3A_156 : vector<1024x128xi1>, vector<1024x128xbf16>
    %get3A_179 = arith.constant 0 : index
    %get3A_180 = arith.constant 0 : index
    %get3A_181 = arith.constant 1024 : index
    %get3A_182 = vector.load %arg3[%get3A_179, %get3A_180, %get3A_181] : memref<1x64x4096xf32, #tpu.memory_space<vmem>>, vector<1x64x128xf32>
    %get3A_183 = vector.shape_cast %get3A_182 : vector<1x64x128xf32> to vector<64x128xf32>
    %dot_general3A_184 = arith.constant dense<0.000000e+00> : vector<1024x128xf32>
    %dot_general3A_185 = tpu.matmul %get3A_3, %get3A_183, %dot_general3A_184 {dimension_numbers = #tpu.dot_dimension_numbers<[1], [0], [0], [1], [0, 0, 1, 1], [], []>, transpose_lhs_hint = false} : vector<1024x64xf32>, vector<64x128xf32>, vector<1024x128xf32> -> vector<1024x128xf32>
    %mul3A_186 = arith.mulf %get3A_183, %get3A_183 : vector<64x128xf32>
    %reduce_sum3A_187 = arith.constant dense<0.000000e+00> : vector<128xf32>
    %reduce_sum3A_188 = vector.multi_reduction <add>, %mul3A_186, %reduce_sum3A_187 [0] : vector<64x128xf32> to vector<128xf32>
    %broadcast_in_dim3A_189 = vector.shape_cast %reduce_sum3A_188 : vector<128xf32> to vector<1x128xf32>
    %add3A_190 = vector.broadcast %broadcast_in_dim3A_189 : vector<1x128xf32> to vector<1024x128xf32>
    %add3A_191 = arith.addf %dot_general3A_185, %add3A_190 : vector<1024x128xf32>
    %mul3A_192 = arith.constant 32 : i32
    %mul3A_193 = arith.muli %arg1, %mul3A_192 : i32
    %add3A_194 = arith.constant 8 : i32
    %add3A_195 = arith.addi %mul3A_193, %add3A_194 : i32
    %convert_element_type3A_196 = arith.sitofp %add3A_195 : i32 to bf16
    %lt3A_197 = arith.cmpf olt, %add3A_191, %select_n3A_176 : vector<1024x128xf32>
    %select_n3A_198 = arith.select %lt3A_197, %add3A_191, %select_n3A_176 : vector<1024x128xi1>, vector<1024x128xf32>
    %broadcast_in_dim3A_199 = vector.broadcast %convert_element_type3A_196 : bf16 to vector<1024x128xbf16>
    %select_n3A_200 = arith.select %lt3A_197, %broadcast_in_dim3A_199, %select_n3A_178 : vector<1024x128xi1>, vector<1024x128xbf16>
    %get3A_201 = arith.constant 0 : index
    %get3A_202 = arith.constant 0 : index
    %get3A_203 = arith.constant 1152 : index
    %get3A_204 = vector.load %arg3[%get3A_201, %get3A_202, %get3A_203] : memref<1x64x4096xf32, #tpu.memory_space<vmem>>, vector<1x64x128xf32>
    %get3A_205 = vector.shape_cast %get3A_204 : vector<1x64x128xf32> to vector<64x128xf32>
    %dot_general3A_206 = arith.constant dense<0.000000e+00> : vector<1024x128xf32>
    %dot_general3A_207 = tpu.matmul %get3A_3, %get3A_205, %dot_general3A_206 {dimension_numbers = #tpu.dot_dimension_numbers<[1], [0], [0], [1], [0, 0, 1, 1], [], []>, transpose_lhs_hint = false} : vector<1024x64xf32>, vector<64x128xf32>, vector<1024x128xf32> -> vector<1024x128xf32>
    %mul3A_208 = arith.mulf %get3A_205, %get3A_205 : vector<64x128xf32>
    %reduce_sum3A_209 = arith.constant dense<0.000000e+00> : vector<128xf32>
    %reduce_sum3A_210 = vector.multi_reduction <add>, %mul3A_208, %reduce_sum3A_209 [0] : vector<64x128xf32> to vector<128xf32>
    %broadcast_in_dim3A_211 = vector.shape_cast %reduce_sum3A_210 : vector<128xf32> to vector<1x128xf32>
    %add3A_212 = vector.broadcast %broadcast_in_dim3A_211 : vector<1x128xf32> to vector<1024x128xf32>
    %add3A_213 = arith.addf %dot_general3A_207, %add3A_212 : vector<1024x128xf32>
    %mul3A_214 = arith.constant 32 : i32
    %mul3A_215 = arith.muli %arg1, %mul3A_214 : i32
    %add3A_216 = arith.constant 9 : i32
    %add3A_217 = arith.addi %mul3A_215, %add3A_216 : i32
    %convert_element_type3A_218 = arith.sitofp %add3A_217 : i32 to bf16
    %lt3A_219 = arith.cmpf olt, %add3A_213, %select_n3A_198 : vector<1024x128xf32>
    %select_n3A_220 = arith.select %lt3A_219, %add3A_213, %select_n3A_198 : vector<1024x128xi1>, vector<1024x128xf32>
    %broadcast_in_dim3A_221 = vector.broadcast %convert_element_type3A_218 : bf16 to vector<1024x128xbf16>
    %select_n3A_222 = arith.select %lt3A_219, %broadcast_in_dim3A_221, %select_n3A_200 : vector<1024x128xi1>, vector<1024x128xbf16>
    %get3A_223 = arith.constant 0 : index
    %get3A_224 = arith.constant 0 : index
    %get3A_225 = arith.constant 1280 : index
    %get3A_226 = vector.load %arg3[%get3A_223, %get3A_224, %get3A_225] : memref<1x64x4096xf32, #tpu.memory_space<vmem>>, vector<1x64x128xf32>
    %get3A_227 = vector.shape_cast %get3A_226 : vector<1x64x128xf32> to vector<64x128xf32>
    %dot_general3A_228 = arith.constant dense<0.000000e+00> : vector<1024x128xf32>
    %dot_general3A_229 = tpu.matmul %get3A_3, %get3A_227, %dot_general3A_228 {dimension_numbers = #tpu.dot_dimension_numbers<[1], [0], [0], [1], [0, 0, 1, 1], [], []>, transpose_lhs_hint = false} : vector<1024x64xf32>, vector<64x128xf32>, vector<1024x128xf32> -> vector<1024x128xf32>
    %mul3A_230 = arith.mulf %get3A_227, %get3A_227 : vector<64x128xf32>
    %reduce_sum3A_231 = arith.constant dense<0.000000e+00> : vector<128xf32>
    %reduce_sum3A_232 = vector.multi_reduction <add>, %mul3A_230, %reduce_sum3A_231 [0] : vector<64x128xf32> to vector<128xf32>
    %broadcast_in_dim3A_233 = vector.shape_cast %reduce_sum3A_232 : vector<128xf32> to vector<1x128xf32>
    %add3A_234 = vector.broadcast %broadcast_in_dim3A_233 : vector<1x128xf32> to vector<1024x128xf32>
    %add3A_235 = arith.addf %dot_general3A_229, %add3A_234 : vector<1024x128xf32>
    %mul3A_236 = arith.constant 32 : i32
    %mul3A_237 = arith.muli %arg1, %mul3A_236 : i32
    %add3A_238 = arith.constant 10 : i32
    %add3A_239 = arith.addi %mul3A_237, %add3A_238 : i32
    %convert_element_type3A_240 = arith.sitofp %add3A_239 : i32 to bf16
    %lt3A_241 = arith.cmpf olt, %add3A_235, %select_n3A_220 : vector<1024x128xf32>
    %select_n3A_242 = arith.select %lt3A_241, %add3A_235, %select_n3A_220 : vector<1024x128xi1>, vector<1024x128xf32>
    %broadcast_in_dim3A_243 = vector.broadcast %convert_element_type3A_240 : bf16 to vector<1024x128xbf16>
    %select_n3A_244 = arith.select %lt3A_241, %broadcast_in_dim3A_243, %select_n3A_222 : vector<1024x128xi1>, vector<1024x128xbf16>
    %get3A_245 = arith.constant 0 : index
    %get3A_246 = arith.constant 0 : index
    %get3A_247 = arith.constant 1408 : index
    %get3A_248 = vector.load %arg3[%get3A_245, %get3A_246, %get3A_247] : memref<1x64x4096xf32, #tpu.memory_space<vmem>>, vector<1x64x128xf32>
    %get3A_249 = vector.shape_cast %get3A_248 : vector<1x64x128xf32> to vector<64x128xf32>
    %dot_general3A_250 = arith.constant dense<0.000000e+00> : vector<1024x128xf32>
    %dot_general3A_251 = tpu.matmul %get3A_3, %get3A_249, %dot_general3A_250 {dimension_numbers = #tpu.dot_dimension_numbers<[1], [0], [0], [1], [0, 0, 1, 1], [], []>, transpose_lhs_hint = false} : vector<1024x64xf32>, vector<64x128xf32>, vector<1024x128xf32> -> vector<1024x128xf32>
    %mul3A_252 = arith.mulf %get3A_249, %get3A_249 : vector<64x128xf32>
    %reduce_sum3A_253 = arith.constant dense<0.000000e+00> : vector<128xf32>
    %reduce_sum3A_254 = vector.multi_reduction <add>, %mul3A_252, %reduce_sum3A_253 [0] : vector<64x128xf32> to vector<128xf32>
    %broadcast_in_dim3A_255 = vector.shape_cast %reduce_sum3A_254 : vector<128xf32> to vector<1x128xf32>
    %add3A_256 = vector.broadcast %broadcast_in_dim3A_255 : vector<1x128xf32> to vector<1024x128xf32>
    %add3A_257 = arith.addf %dot_general3A_251, %add3A_256 : vector<1024x128xf32>
    %mul3A_258 = arith.constant 32 : i32
    %mul3A_259 = arith.muli %arg1, %mul3A_258 : i32
    %add3A_260 = arith.constant 11 : i32
    %add3A_261 = arith.addi %mul3A_259, %add3A_260 : i32
    %convert_element_type3A_262 = arith.sitofp %add3A_261 : i32 to bf16
    %lt3A_263 = arith.cmpf olt, %add3A_257, %select_n3A_242 : vector<1024x128xf32>
    %select_n3A_264 = arith.select %lt3A_263, %add3A_257, %select_n3A_242 : vector<1024x128xi1>, vector<1024x128xf32>
    %broadcast_in_dim3A_265 = vector.broadcast %convert_element_type3A_262 : bf16 to vector<1024x128xbf16>
    %select_n3A_266 = arith.select %lt3A_263, %broadcast_in_dim3A_265, %select_n3A_244 : vector<1024x128xi1>, vector<1024x128xbf16>
    %get3A_267 = arith.constant 0 : index
    %get3A_268 = arith.constant 0 : index
    %get3A_269 = arith.constant 1536 : index
    %get3A_270 = vector.load %arg3[%get3A_267, %get3A_268, %get3A_269] : memref<1x64x4096xf32, #tpu.memory_space<vmem>>, vector<1x64x128xf32>
    %get3A_271 = vector.shape_cast %get3A_270 : vector<1x64x128xf32> to vector<64x128xf32>
    %dot_general3A_272 = arith.constant dense<0.000000e+00> : vector<1024x128xf32>
    %dot_general3A_273 = tpu.matmul %get3A_3, %get3A_271, %dot_general3A_272 {dimension_numbers = #tpu.dot_dimension_numbers<[1], [0], [0], [1], [0, 0, 1, 1], [], []>, transpose_lhs_hint = false} : vector<1024x64xf32>, vector<64x128xf32>, vector<1024x128xf32> -> vector<1024x128xf32>
    %mul3A_274 = arith.mulf %get3A_271, %get3A_271 : vector<64x128xf32>
    %reduce_sum3A_275 = arith.constant dense<0.000000e+00> : vector<128xf32>
    %reduce_sum3A_276 = vector.multi_reduction <add>, %mul3A_274, %reduce_sum3A_275 [0] : vector<64x128xf32> to vector<128xf32>
    %broadcast_in_dim3A_277 = vector.shape_cast %reduce_sum3A_276 : vector<128xf32> to vector<1x128xf32>
    %add3A_278 = vector.broadcast %broadcast_in_dim3A_277 : vector<1x128xf32> to vector<1024x128xf32>
    %add3A_279 = arith.addf %dot_general3A_273, %add3A_278 : vector<1024x128xf32>
    %mul3A_280 = arith.constant 32 : i32
    %mul3A_281 = arith.muli %arg1, %mul3A_280 : i32
    %add3A_282 = arith.constant 12 : i32
    %add3A_283 = arith.addi %mul3A_281, %add3A_282 : i32
    %convert_element_type3A_284 = arith.sitofp %add3A_283 : i32 to bf16
    %lt3A_285 = arith.cmpf olt, %add3A_279, %select_n3A_264 : vector<1024x128xf32>
    %select_n3A_286 = arith.select %lt3A_285, %add3A_279, %select_n3A_264 : vector<1024x128xi1>, vector<1024x128xf32>
    %broadcast_in_dim3A_287 = vector.broadcast %convert_element_type3A_284 : bf16 to vector<1024x128xbf16>
    %select_n3A_288 = arith.select %lt3A_285, %broadcast_in_dim3A_287, %select_n3A_266 : vector<1024x128xi1>, vector<1024x128xbf16>
    %get3A_289 = arith.constant 0 : index
    %get3A_290 = arith.constant 0 : index
    %get3A_291 = arith.constant 1664 : index
    %get3A_292 = vector.load %arg3[%get3A_289, %get3A_290, %get3A_291] : memref<1x64x4096xf32, #tpu.memory_space<vmem>>, vector<1x64x128xf32>
    %get3A_293 = vector.shape_cast %get3A_292 : vector<1x64x128xf32> to vector<64x128xf32>
    %dot_general3A_294 = arith.constant dense<0.000000e+00> : vector<1024x128xf32>
    %dot_general3A_295 = tpu.matmul %get3A_3, %get3A_293, %dot_general3A_294 {dimension_numbers = #tpu.dot_dimension_numbers<[1], [0], [0], [1], [0, 0, 1, 1], [], []>, transpose_lhs_hint = false} : vector<1024x64xf32>, vector<64x128xf32>, vector<1024x128xf32> -> vector<1024x128xf32>
    %mul3A_296 = arith.mulf %get3A_293, %get3A_293 : vector<64x128xf32>
    %reduce_sum3A_297 = arith.constant dense<0.000000e+00> : vector<128xf32>
    %reduce_sum3A_298 = vector.multi_reduction <add>, %mul3A_296, %reduce_sum3A_297 [0] : vector<64x128xf32> to vector<128xf32>
    %broadcast_in_dim3A_299 = vector.shape_cast %reduce_sum3A_298 : vector<128xf32> to vector<1x128xf32>
    %add3A_300 = vector.broadcast %broadcast_in_dim3A_299 : vector<1x128xf32> to vector<1024x128xf32>
    %add3A_301 = arith.addf %dot_general3A_295, %add3A_300 : vector<1024x128xf32>
    %mul3A_302 = arith.constant 32 : i32
    %mul3A_303 = arith.muli %arg1, %mul3A_302 : i32
    %add3A_304 = arith.constant 13 : i32
    %add3A_305 = arith.addi %mul3A_303, %add3A_304 : i32
    %convert_element_type3A_306 = arith.sitofp %add3A_305 : i32 to bf16
    %lt3A_307 = arith.cmpf olt, %add3A_301, %select_n3A_286 : vector<1024x128xf32>
    %select_n3A_308 = arith.select %lt3A_307, %add3A_301, %select_n3A_286 : vector<1024x128xi1>, vector<1024x128xf32>
    %broadcast_in_dim3A_309 = vector.broadcast %convert_element_type3A_306 : bf16 to vector<1024x128xbf16>
    %select_n3A_310 = arith.select %lt3A_307, %broadcast_in_dim3A_309, %select_n3A_288 : vector<1024x128xi1>, vector<1024x128xbf16>
    %get3A_311 = arith.constant 0 : index
    %get3A_312 = arith.constant 0 : index
    %get3A_313 = arith.constant 1792 : index
    %get3A_314 = vector.load %arg3[%get3A_311, %get3A_312, %get3A_313] : memref<1x64x4096xf32, #tpu.memory_space<vmem>>, vector<1x64x128xf32>
    %get3A_315 = vector.shape_cast %get3A_314 : vector<1x64x128xf32> to vector<64x128xf32>
    %dot_general3A_316 = arith.constant dense<0.000000e+00> : vector<1024x128xf32>
    %dot_general3A_317 = tpu.matmul %get3A_3, %get3A_315, %dot_general3A_316 {dimension_numbers = #tpu.dot_dimension_numbers<[1], [0], [0], [1], [0, 0, 1, 1], [], []>, transpose_lhs_hint = false} : vector<1024x64xf32>, vector<64x128xf32>, vector<1024x128xf32> -> vector<1024x128xf32>
    %mul3A_318 = arith.mulf %get3A_315, %get3A_315 : vector<64x128xf32>
    %reduce_sum3A_319 = arith.constant dense<0.000000e+00> : vector<128xf32>
    %reduce_sum3A_320 = vector.multi_reduction <add>, %mul3A_318, %reduce_sum3A_319 [0] : vector<64x128xf32> to vector<128xf32>
    %broadcast_in_dim3A_321 = vector.shape_cast %reduce_sum3A_320 : vector<128xf32> to vector<1x128xf32>
    %add3A_322 = vector.broadcast %broadcast_in_dim3A_321 : vector<1x128xf32> to vector<1024x128xf32>
    %add3A_323 = arith.addf %dot_general3A_317, %add3A_322 : vector<1024x128xf32>
    %mul3A_324 = arith.constant 32 : i32
    %mul3A_325 = arith.muli %arg1, %mul3A_324 : i32
    %add3A_326 = arith.constant 14 : i32
    %add3A_327 = arith.addi %mul3A_325, %add3A_326 : i32
    %convert_element_type3A_328 = arith.sitofp %add3A_327 : i32 to bf16
    %lt3A_329 = arith.cmpf olt, %add3A_323, %select_n3A_308 : vector<1024x128xf32>
    %select_n3A_330 = arith.select %lt3A_329, %add3A_323, %select_n3A_308 : vector<1024x128xi1>, vector<1024x128xf32>
    %broadcast_in_dim3A_331 = vector.broadcast %convert_element_type3A_328 : bf16 to vector<1024x128xbf16>
    %select_n3A_332 = arith.select %lt3A_329, %broadcast_in_dim3A_331, %select_n3A_310 : vector<1024x128xi1>, vector<1024x128xbf16>
    %get3A_333 = arith.constant 0 : index
    %get3A_334 = arith.constant 0 : index
    %get3A_335 = arith.constant 1920 : index
    %get3A_336 = vector.load %arg3[%get3A_333, %get3A_334, %get3A_335] : memref<1x64x4096xf32, #tpu.memory_space<vmem>>, vector<1x64x128xf32>
    %get3A_337 = vector.shape_cast %get3A_336 : vector<1x64x128xf32> to vector<64x128xf32>
    %dot_general3A_338 = arith.constant dense<0.000000e+00> : vector<1024x128xf32>
    %dot_general3A_339 = tpu.matmul %get3A_3, %get3A_337, %dot_general3A_338 {dimension_numbers = #tpu.dot_dimension_numbers<[1], [0], [0], [1], [0, 0, 1, 1], [], []>, transpose_lhs_hint = false} : vector<1024x64xf32>, vector<64x128xf32>, vector<1024x128xf32> -> vector<1024x128xf32>
    %mul3A_340 = arith.mulf %get3A_337, %get3A_337 : vector<64x128xf32>
    %reduce_sum3A_341 = arith.constant dense<0.000000e+00> : vector<128xf32>
    %reduce_sum3A_342 = vector.multi_reduction <add>, %mul3A_340, %reduce_sum3A_341 [0] : vector<64x128xf32> to vector<128xf32>
    %broadcast_in_dim3A_343 = vector.shape_cast %reduce_sum3A_342 : vector<128xf32> to vector<1x128xf32>
    %add3A_344 = vector.broadcast %broadcast_in_dim3A_343 : vector<1x128xf32> to vector<1024x128xf32>
    %add3A_345 = arith.addf %dot_general3A_339, %add3A_344 : vector<1024x128xf32>
    %mul3A_346 = arith.constant 32 : i32
    %mul3A_347 = arith.muli %arg1, %mul3A_346 : i32
    %add3A_348 = arith.constant 15 : i32
    %add3A_349 = arith.addi %mul3A_347, %add3A_348 : i32
    %convert_element_type3A_350 = arith.sitofp %add3A_349 : i32 to bf16
    %lt3A_351 = arith.cmpf olt, %add3A_345, %select_n3A_330 : vector<1024x128xf32>
    %select_n3A_352 = arith.select %lt3A_351, %add3A_345, %select_n3A_330 : vector<1024x128xi1>, vector<1024x128xf32>
    %broadcast_in_dim3A_353 = vector.broadcast %convert_element_type3A_350 : bf16 to vector<1024x128xbf16>
    %select_n3A_354 = arith.select %lt3A_351, %broadcast_in_dim3A_353, %select_n3A_332 : vector<1024x128xi1>, vector<1024x128xbf16>
    %get3A_355 = arith.constant 0 : index
    %get3A_356 = arith.constant 0 : index
    %get3A_357 = arith.constant 2048 : index
    %get3A_358 = vector.load %arg3[%get3A_355, %get3A_356, %get3A_357] : memref<1x64x4096xf32, #tpu.memory_space<vmem>>, vector<1x64x128xf32>
    %get3A_359 = vector.shape_cast %get3A_358 : vector<1x64x128xf32> to vector<64x128xf32>
    %dot_general3A_360 = arith.constant dense<0.000000e+00> : vector<1024x128xf32>
    %dot_general3A_361 = tpu.matmul %get3A_3, %get3A_359, %dot_general3A_360 {dimension_numbers = #tpu.dot_dimension_numbers<[1], [0], [0], [1], [0, 0, 1, 1], [], []>, transpose_lhs_hint = false} : vector<1024x64xf32>, vector<64x128xf32>, vector<1024x128xf32> -> vector<1024x128xf32>
    %mul3A_362 = arith.mulf %get3A_359, %get3A_359 : vector<64x128xf32>
    %reduce_sum3A_363 = arith.constant dense<0.000000e+00> : vector<128xf32>
    %reduce_sum3A_364 = vector.multi_reduction <add>, %mul3A_362, %reduce_sum3A_363 [0] : vector<64x128xf32> to vector<128xf32>
    %broadcast_in_dim3A_365 = vector.shape_cast %reduce_sum3A_364 : vector<128xf32> to vector<1x128xf32>
    %add3A_366 = vector.broadcast %broadcast_in_dim3A_365 : vector<1x128xf32> to vector<1024x128xf32>
    %add3A_367 = arith.addf %dot_general3A_361, %add3A_366 : vector<1024x128xf32>
    %mul3A_368 = arith.constant 32 : i32
    %mul3A_369 = arith.muli %arg1, %mul3A_368 : i32
    %add3A_370 = arith.constant 16 : i32
    %add3A_371 = arith.addi %mul3A_369, %add3A_370 : i32
    %convert_element_type3A_372 = arith.sitofp %add3A_371 : i32 to bf16
    %lt3A_373 = arith.cmpf olt, %add3A_367, %select_n3A_352 : vector<1024x128xf32>
    %select_n3A_374 = arith.select %lt3A_373, %add3A_367, %select_n3A_352 : vector<1024x128xi1>, vector<1024x128xf32>
    %broadcast_in_dim3A_375 = vector.broadcast %convert_element_type3A_372 : bf16 to vector<1024x128xbf16>
    %select_n3A_376 = arith.select %lt3A_373, %broadcast_in_dim3A_375, %select_n3A_354 : vector<1024x128xi1>, vector<1024x128xbf16>
    %get3A_377 = arith.constant 0 : index
    %get3A_378 = arith.constant 0 : index
    %get3A_379 = arith.constant 2176 : index
    %get3A_380 = vector.load %arg3[%get3A_377, %get3A_378, %get3A_379] : memref<1x64x4096xf32, #tpu.memory_space<vmem>>, vector<1x64x128xf32>
    %get3A_381 = vector.shape_cast %get3A_380 : vector<1x64x128xf32> to vector<64x128xf32>
    %dot_general3A_382 = arith.constant dense<0.000000e+00> : vector<1024x128xf32>
    %dot_general3A_383 = tpu.matmul %get3A_3, %get3A_381, %dot_general3A_382 {dimension_numbers = #tpu.dot_dimension_numbers<[1], [0], [0], [1], [0, 0, 1, 1], [], []>, transpose_lhs_hint = false} : vector<1024x64xf32>, vector<64x128xf32>, vector<1024x128xf32> -> vector<1024x128xf32>
    %mul3A_384 = arith.mulf %get3A_381, %get3A_381 : vector<64x128xf32>
    %reduce_sum3A_385 = arith.constant dense<0.000000e+00> : vector<128xf32>
    %reduce_sum3A_386 = vector.multi_reduction <add>, %mul3A_384, %reduce_sum3A_385 [0] : vector<64x128xf32> to vector<128xf32>
    %broadcast_in_dim3A_387 = vector.shape_cast %reduce_sum3A_386 : vector<128xf32> to vector<1x128xf32>
    %add3A_388 = vector.broadcast %broadcast_in_dim3A_387 : vector<1x128xf32> to vector<1024x128xf32>
    %add3A_389 = arith.addf %dot_general3A_383, %add3A_388 : vector<1024x128xf32>
    %mul3A_390 = arith.constant 32 : i32
    %mul3A_391 = arith.muli %arg1, %mul3A_390 : i32
    %add3A_392 = arith.constant 17 : i32
    %add3A_393 = arith.addi %mul3A_391, %add3A_392 : i32
    %convert_element_type3A_394 = arith.sitofp %add3A_393 : i32 to bf16
    %lt3A_395 = arith.cmpf olt, %add3A_389, %select_n3A_374 : vector<1024x128xf32>
    %select_n3A_396 = arith.select %lt3A_395, %add3A_389, %select_n3A_374 : vector<1024x128xi1>, vector<1024x128xf32>
    %broadcast_in_dim3A_397 = vector.broadcast %convert_element_type3A_394 : bf16 to vector<1024x128xbf16>
    %select_n3A_398 = arith.select %lt3A_395, %broadcast_in_dim3A_397, %select_n3A_376 : vector<1024x128xi1>, vector<1024x128xbf16>
    %get3A_399 = arith.constant 0 : index
    %get3A_400 = arith.constant 0 : index
    %get3A_401 = arith.constant 2304 : index
    %get3A_402 = vector.load %arg3[%get3A_399, %get3A_400, %get3A_401] : memref<1x64x4096xf32, #tpu.memory_space<vmem>>, vector<1x64x128xf32>
    %get3A_403 = vector.shape_cast %get3A_402 : vector<1x64x128xf32> to vector<64x128xf32>
    %dot_general3A_404 = arith.constant dense<0.000000e+00> : vector<1024x128xf32>
    %dot_general3A_405 = tpu.matmul %get3A_3, %get3A_403, %dot_general3A_404 {dimension_numbers = #tpu.dot_dimension_numbers<[1], [0], [0], [1], [0, 0, 1, 1], [], []>, transpose_lhs_hint = false} : vector<1024x64xf32>, vector<64x128xf32>, vector<1024x128xf32> -> vector<1024x128xf32>
    %mul3A_406 = arith.mulf %get3A_403, %get3A_403 : vector<64x128xf32>
    %reduce_sum3A_407 = arith.constant dense<0.000000e+00> : vector<128xf32>
    %reduce_sum3A_408 = vector.multi_reduction <add>, %mul3A_406, %reduce_sum3A_407 [0] : vector<64x128xf32> to vector<128xf32>
    %broadcast_in_dim3A_409 = vector.shape_cast %reduce_sum3A_408 : vector<128xf32> to vector<1x128xf32>
    %add3A_410 = vector.broadcast %broadcast_in_dim3A_409 : vector<1x128xf32> to vector<1024x128xf32>
    %add3A_411 = arith.addf %dot_general3A_405, %add3A_410 : vector<1024x128xf32>
    %mul3A_412 = arith.constant 32 : i32
    %mul3A_413 = arith.muli %arg1, %mul3A_412 : i32
    %add3A_414 = arith.constant 18 : i32
    %add3A_415 = arith.addi %mul3A_413, %add3A_414 : i32
    %convert_element_type3A_416 = arith.sitofp %add3A_415 : i32 to bf16
    %lt3A_417 = arith.cmpf olt, %add3A_411, %select_n3A_396 : vector<1024x128xf32>
    %select_n3A_418 = arith.select %lt3A_417, %add3A_411, %select_n3A_396 : vector<1024x128xi1>, vector<1024x128xf32>
    %broadcast_in_dim3A_419 = vector.broadcast %convert_element_type3A_416 : bf16 to vector<1024x128xbf16>
    %select_n3A_420 = arith.select %lt3A_417, %broadcast_in_dim3A_419, %select_n3A_398 : vector<1024x128xi1>, vector<1024x128xbf16>
    %get3A_421 = arith.constant 0 : index
    %get3A_422 = arith.constant 0 : index
    %get3A_423 = arith.constant 2432 : index
    %get3A_424 = vector.load %arg3[%get3A_421, %get3A_422, %get3A_423] : memref<1x64x4096xf32, #tpu.memory_space<vmem>>, vector<1x64x128xf32>
    %get3A_425 = vector.shape_cast %get3A_424 : vector<1x64x128xf32> to vector<64x128xf32>
    %dot_general3A_426 = arith.constant dense<0.000000e+00> : vector<1024x128xf32>
    %dot_general3A_427 = tpu.matmul %get3A_3, %get3A_425, %dot_general3A_426 {dimension_numbers = #tpu.dot_dimension_numbers<[1], [0], [0], [1], [0, 0, 1, 1], [], []>, transpose_lhs_hint = false} : vector<1024x64xf32>, vector<64x128xf32>, vector<1024x128xf32> -> vector<1024x128xf32>
    %mul3A_428 = arith.mulf %get3A_425, %get3A_425 : vector<64x128xf32>
    %reduce_sum3A_429 = arith.constant dense<0.000000e+00> : vector<128xf32>
    %reduce_sum3A_430 = vector.multi_reduction <add>, %mul3A_428, %reduce_sum3A_429 [0] : vector<64x128xf32> to vector<128xf32>
    %broadcast_in_dim3A_431 = vector.shape_cast %reduce_sum3A_430 : vector<128xf32> to vector<1x128xf32>
    %add3A_432 = vector.broadcast %broadcast_in_dim3A_431 : vector<1x128xf32> to vector<1024x128xf32>
    %add3A_433 = arith.addf %dot_general3A_427, %add3A_432 : vector<1024x128xf32>
    %mul3A_434 = arith.constant 32 : i32
    %mul3A_435 = arith.muli %arg1, %mul3A_434 : i32
    %add3A_436 = arith.constant 19 : i32
    %add3A_437 = arith.addi %mul3A_435, %add3A_436 : i32
    %convert_element_type3A_438 = arith.sitofp %add3A_437 : i32 to bf16
    %lt3A_439 = arith.cmpf olt, %add3A_433, %select_n3A_418 : vector<1024x128xf32>
    %select_n3A_440 = arith.select %lt3A_439, %add3A_433, %select_n3A_418 : vector<1024x128xi1>, vector<1024x128xf32>
    %broadcast_in_dim3A_441 = vector.broadcast %convert_element_type3A_438 : bf16 to vector<1024x128xbf16>
    %select_n3A_442 = arith.select %lt3A_439, %broadcast_in_dim3A_441, %select_n3A_420 : vector<1024x128xi1>, vector<1024x128xbf16>
    %get3A_443 = arith.constant 0 : index
    %get3A_444 = arith.constant 0 : index
    %get3A_445 = arith.constant 2560 : index
    %get3A_446 = vector.load %arg3[%get3A_443, %get3A_444, %get3A_445] : memref<1x64x4096xf32, #tpu.memory_space<vmem>>, vector<1x64x128xf32>
    %get3A_447 = vector.shape_cast %get3A_446 : vector<1x64x128xf32> to vector<64x128xf32>
    %dot_general3A_448 = arith.constant dense<0.000000e+00> : vector<1024x128xf32>
    %dot_general3A_449 = tpu.matmul %get3A_3, %get3A_447, %dot_general3A_448 {dimension_numbers = #tpu.dot_dimension_numbers<[1], [0], [0], [1], [0, 0, 1, 1], [], []>, transpose_lhs_hint = false} : vector<1024x64xf32>, vector<64x128xf32>, vector<1024x128xf32> -> vector<1024x128xf32>
    %mul3A_450 = arith.mulf %get3A_447, %get3A_447 : vector<64x128xf32>
    %reduce_sum3A_451 = arith.constant dense<0.000000e+00> : vector<128xf32>
    %reduce_sum3A_452 = vector.multi_reduction <add>, %mul3A_450, %reduce_sum3A_451 [0] : vector<64x128xf32> to vector<128xf32>
    %broadcast_in_dim3A_453 = vector.shape_cast %reduce_sum3A_452 : vector<128xf32> to vector<1x128xf32>
    %add3A_454 = vector.broadcast %broadcast_in_dim3A_453 : vector<1x128xf32> to vector<1024x128xf32>
    %add3A_455 = arith.addf %dot_general3A_449, %add3A_454 : vector<1024x128xf32>
    %mul3A_456 = arith.constant 32 : i32
    %mul3A_457 = arith.muli %arg1, %mul3A_456 : i32
    %add3A_458 = arith.constant 20 : i32
    %add3A_459 = arith.addi %mul3A_457, %add3A_458 : i32
    %convert_element_type3A_460 = arith.sitofp %add3A_459 : i32 to bf16
    %lt3A_461 = arith.cmpf olt, %add3A_455, %select_n3A_440 : vector<1024x128xf32>
    %select_n3A_462 = arith.select %lt3A_461, %add3A_455, %select_n3A_440 : vector<1024x128xi1>, vector<1024x128xf32>
    %broadcast_in_dim3A_463 = vector.broadcast %convert_element_type3A_460 : bf16 to vector<1024x128xbf16>
    %select_n3A_464 = arith.select %lt3A_461, %broadcast_in_dim3A_463, %select_n3A_442 : vector<1024x128xi1>, vector<1024x128xbf16>
    %get3A_465 = arith.constant 0 : index
    %get3A_466 = arith.constant 0 : index
    %get3A_467 = arith.constant 2688 : index
    %get3A_468 = vector.load %arg3[%get3A_465, %get3A_466, %get3A_467] : memref<1x64x4096xf32, #tpu.memory_space<vmem>>, vector<1x64x128xf32>
    %get3A_469 = vector.shape_cast %get3A_468 : vector<1x64x128xf32> to vector<64x128xf32>
    %dot_general3A_470 = arith.constant dense<0.000000e+00> : vector<1024x128xf32>
    %dot_general3A_471 = tpu.matmul %get3A_3, %get3A_469, %dot_general3A_470 {dimension_numbers = #tpu.dot_dimension_numbers<[1], [0], [0], [1], [0, 0, 1, 1], [], []>, transpose_lhs_hint = false} : vector<1024x64xf32>, vector<64x128xf32>, vector<1024x128xf32> -> vector<1024x128xf32>
    %mul3A_472 = arith.mulf %get3A_469, %get3A_469 : vector<64x128xf32>
    %reduce_sum3A_473 = arith.constant dense<0.000000e+00> : vector<128xf32>
    %reduce_sum3A_474 = vector.multi_reduction <add>, %mul3A_472, %reduce_sum3A_473 [0] : vector<64x128xf32> to vector<128xf32>
    %broadcast_in_dim3A_475 = vector.shape_cast %reduce_sum3A_474 : vector<128xf32> to vector<1x128xf32>
    %add3A_476 = vector.broadcast %broadcast_in_dim3A_475 : vector<1x128xf32> to vector<1024x128xf32>
    %add3A_477 = arith.addf %dot_general3A_471, %add3A_476 : vector<1024x128xf32>
    %mul3A_478 = arith.constant 32 : i32
    %mul3A_479 = arith.muli %arg1, %mul3A_478 : i32
    %add3A_480 = arith.constant 21 : i32
    %add3A_481 = arith.addi %mul3A_479, %add3A_480 : i32
    %convert_element_type3A_482 = arith.sitofp %add3A_481 : i32 to bf16
    %lt3A_483 = arith.cmpf olt, %add3A_477, %select_n3A_462 : vector<1024x128xf32>
    %select_n3A_484 = arith.select %lt3A_483, %add3A_477, %select_n3A_462 : vector<1024x128xi1>, vector<1024x128xf32>
    %broadcast_in_dim3A_485 = vector.broadcast %convert_element_type3A_482 : bf16 to vector<1024x128xbf16>
    %select_n3A_486 = arith.select %lt3A_483, %broadcast_in_dim3A_485, %select_n3A_464 : vector<1024x128xi1>, vector<1024x128xbf16>
    %get3A_487 = arith.constant 0 : index
    %get3A_488 = arith.constant 0 : index
    %get3A_489 = arith.constant 2816 : index
    %get3A_490 = vector.load %arg3[%get3A_487, %get3A_488, %get3A_489] : memref<1x64x4096xf32, #tpu.memory_space<vmem>>, vector<1x64x128xf32>
    %get3A_491 = vector.shape_cast %get3A_490 : vector<1x64x128xf32> to vector<64x128xf32>
    %dot_general3A_492 = arith.constant dense<0.000000e+00> : vector<1024x128xf32>
    %dot_general3A_493 = tpu.matmul %get3A_3, %get3A_491, %dot_general3A_492 {dimension_numbers = #tpu.dot_dimension_numbers<[1], [0], [0], [1], [0, 0, 1, 1], [], []>, transpose_lhs_hint = false} : vector<1024x64xf32>, vector<64x128xf32>, vector<1024x128xf32> -> vector<1024x128xf32>
    %mul3A_494 = arith.mulf %get3A_491, %get3A_491 : vector<64x128xf32>
    %reduce_sum3A_495 = arith.constant dense<0.000000e+00> : vector<128xf32>
    %reduce_sum3A_496 = vector.multi_reduction <add>, %mul3A_494, %reduce_sum3A_495 [0] : vector<64x128xf32> to vector<128xf32>
    %broadcast_in_dim3A_497 = vector.shape_cast %reduce_sum3A_496 : vector<128xf32> to vector<1x128xf32>
    %add3A_498 = vector.broadcast %broadcast_in_dim3A_497 : vector<1x128xf32> to vector<1024x128xf32>
    %add3A_499 = arith.addf %dot_general3A_493, %add3A_498 : vector<1024x128xf32>
    %mul3A_500 = arith.constant 32 : i32
    %mul3A_501 = arith.muli %arg1, %mul3A_500 : i32
    %add3A_502 = arith.constant 22 : i32
    %add3A_503 = arith.addi %mul3A_501, %add3A_502 : i32
    %convert_element_type3A_504 = arith.sitofp %add3A_503 : i32 to bf16
    %lt3A_505 = arith.cmpf olt, %add3A_499, %select_n3A_484 : vector<1024x128xf32>
    %select_n3A_506 = arith.select %lt3A_505, %add3A_499, %select_n3A_484 : vector<1024x128xi1>, vector<1024x128xf32>
    %broadcast_in_dim3A_507 = vector.broadcast %convert_element_type3A_504 : bf16 to vector<1024x128xbf16>
    %select_n3A_508 = arith.select %lt3A_505, %broadcast_in_dim3A_507, %select_n3A_486 : vector<1024x128xi1>, vector<1024x128xbf16>
    %get3A_509 = arith.constant 0 : index
    %get3A_510 = arith.constant 0 : index
    %get3A_511 = arith.constant 2944 : index
    %get3A_512 = vector.load %arg3[%get3A_509, %get3A_510, %get3A_511] : memref<1x64x4096xf32, #tpu.memory_space<vmem>>, vector<1x64x128xf32>
    %get3A_513 = vector.shape_cast %get3A_512 : vector<1x64x128xf32> to vector<64x128xf32>
    %dot_general3A_514 = arith.constant dense<0.000000e+00> : vector<1024x128xf32>
    %dot_general3A_515 = tpu.matmul %get3A_3, %get3A_513, %dot_general3A_514 {dimension_numbers = #tpu.dot_dimension_numbers<[1], [0], [0], [1], [0, 0, 1, 1], [], []>, transpose_lhs_hint = false} : vector<1024x64xf32>, vector<64x128xf32>, vector<1024x128xf32> -> vector<1024x128xf32>
    %mul3A_516 = arith.mulf %get3A_513, %get3A_513 : vector<64x128xf32>
    %reduce_sum3A_517 = arith.constant dense<0.000000e+00> : vector<128xf32>
    %reduce_sum3A_518 = vector.multi_reduction <add>, %mul3A_516, %reduce_sum3A_517 [0] : vector<64x128xf32> to vector<128xf32>
    %broadcast_in_dim3A_519 = vector.shape_cast %reduce_sum3A_518 : vector<128xf32> to vector<1x128xf32>
    %add3A_520 = vector.broadcast %broadcast_in_dim3A_519 : vector<1x128xf32> to vector<1024x128xf32>
    %add3A_521 = arith.addf %dot_general3A_515, %add3A_520 : vector<1024x128xf32>
    %mul3A_522 = arith.constant 32 : i32
    %mul3A_523 = arith.muli %arg1, %mul3A_522 : i32
    %add3A_524 = arith.constant 23 : i32
    %add3A_525 = arith.addi %mul3A_523, %add3A_524 : i32
    %convert_element_type3A_526 = arith.sitofp %add3A_525 : i32 to bf16
    %lt3A_527 = arith.cmpf olt, %add3A_521, %select_n3A_506 : vector<1024x128xf32>
    %select_n3A_528 = arith.select %lt3A_527, %add3A_521, %select_n3A_506 : vector<1024x128xi1>, vector<1024x128xf32>
    %broadcast_in_dim3A_529 = vector.broadcast %convert_element_type3A_526 : bf16 to vector<1024x128xbf16>
    %select_n3A_530 = arith.select %lt3A_527, %broadcast_in_dim3A_529, %select_n3A_508 : vector<1024x128xi1>, vector<1024x128xbf16>
    %get3A_531 = arith.constant 0 : index
    %get3A_532 = arith.constant 0 : index
    %get3A_533 = arith.constant 3072 : index
    %get3A_534 = vector.load %arg3[%get3A_531, %get3A_532, %get3A_533] : memref<1x64x4096xf32, #tpu.memory_space<vmem>>, vector<1x64x128xf32>
    %get3A_535 = vector.shape_cast %get3A_534 : vector<1x64x128xf32> to vector<64x128xf32>
    %dot_general3A_536 = arith.constant dense<0.000000e+00> : vector<1024x128xf32>
    %dot_general3A_537 = tpu.matmul %get3A_3, %get3A_535, %dot_general3A_536 {dimension_numbers = #tpu.dot_dimension_numbers<[1], [0], [0], [1], [0, 0, 1, 1], [], []>, transpose_lhs_hint = false} : vector<1024x64xf32>, vector<64x128xf32>, vector<1024x128xf32> -> vector<1024x128xf32>
    %mul3A_538 = arith.mulf %get3A_535, %get3A_535 : vector<64x128xf32>
    %reduce_sum3A_539 = arith.constant dense<0.000000e+00> : vector<128xf32>
    %reduce_sum3A_540 = vector.multi_reduction <add>, %mul3A_538, %reduce_sum3A_539 [0] : vector<64x128xf32> to vector<128xf32>
    %broadcast_in_dim3A_541 = vector.shape_cast %reduce_sum3A_540 : vector<128xf32> to vector<1x128xf32>
    %add3A_542 = vector.broadcast %broadcast_in_dim3A_541 : vector<1x128xf32> to vector<1024x128xf32>
    %add3A_543 = arith.addf %dot_general3A_537, %add3A_542 : vector<1024x128xf32>
    %mul3A_544 = arith.constant 32 : i32
    %mul3A_545 = arith.muli %arg1, %mul3A_544 : i32
    %add3A_546 = arith.constant 24 : i32
    %add3A_547 = arith.addi %mul3A_545, %add3A_546 : i32
    %convert_element_type3A_548 = arith.sitofp %add3A_547 : i32 to bf16
    %lt3A_549 = arith.cmpf olt, %add3A_543, %select_n3A_528 : vector<1024x128xf32>
    %select_n3A_550 = arith.select %lt3A_549, %add3A_543, %select_n3A_528 : vector<1024x128xi1>, vector<1024x128xf32>
    %broadcast_in_dim3A_551 = vector.broadcast %convert_element_type3A_548 : bf16 to vector<1024x128xbf16>
    %select_n3A_552 = arith.select %lt3A_549, %broadcast_in_dim3A_551, %select_n3A_530 : vector<1024x128xi1>, vector<1024x128xbf16>
    %get3A_553 = arith.constant 0 : index
    %get3A_554 = arith.constant 0 : index
    %get3A_555 = arith.constant 3200 : index
    %get3A_556 = vector.load %arg3[%get3A_553, %get3A_554, %get3A_555] : memref<1x64x4096xf32, #tpu.memory_space<vmem>>, vector<1x64x128xf32>
    %get3A_557 = vector.shape_cast %get3A_556 : vector<1x64x128xf32> to vector<64x128xf32>
    %dot_general3A_558 = arith.constant dense<0.000000e+00> : vector<1024x128xf32>
    %dot_general3A_559 = tpu.matmul %get3A_3, %get3A_557, %dot_general3A_558 {dimension_numbers = #tpu.dot_dimension_numbers<[1], [0], [0], [1], [0, 0, 1, 1], [], []>, transpose_lhs_hint = false} : vector<1024x64xf32>, vector<64x128xf32>, vector<1024x128xf32> -> vector<1024x128xf32>
    %mul3A_560 = arith.mulf %get3A_557, %get3A_557 : vector<64x128xf32>
    %reduce_sum3A_561 = arith.constant dense<0.000000e+00> : vector<128xf32>
    %reduce_sum3A_562 = vector.multi_reduction <add>, %mul3A_560, %reduce_sum3A_561 [0] : vector<64x128xf32> to vector<128xf32>
    %broadcast_in_dim3A_563 = vector.shape_cast %reduce_sum3A_562 : vector<128xf32> to vector<1x128xf32>
    %add3A_564 = vector.broadcast %broadcast_in_dim3A_563 : vector<1x128xf32> to vector<1024x128xf32>
    %add3A_565 = arith.addf %dot_general3A_559, %add3A_564 : vector<1024x128xf32>
    %mul3A_566 = arith.constant 32 : i32
    %mul3A_567 = arith.muli %arg1, %mul3A_566 : i32
    %add3A_568 = arith.constant 25 : i32
    %add3A_569 = arith.addi %mul3A_567, %add3A_568 : i32
    %convert_element_type3A_570 = arith.sitofp %add3A_569 : i32 to bf16
    %lt3A_571 = arith.cmpf olt, %add3A_565, %select_n3A_550 : vector<1024x128xf32>
    %select_n3A_572 = arith.select %lt3A_571, %add3A_565, %select_n3A_550 : vector<1024x128xi1>, vector<1024x128xf32>
    %broadcast_in_dim3A_573 = vector.broadcast %convert_element_type3A_570 : bf16 to vector<1024x128xbf16>
    %select_n3A_574 = arith.select %lt3A_571, %broadcast_in_dim3A_573, %select_n3A_552 : vector<1024x128xi1>, vector<1024x128xbf16>
    %get3A_575 = arith.constant 0 : index
    %get3A_576 = arith.constant 0 : index
    %get3A_577 = arith.constant 3328 : index
    %get3A_578 = vector.load %arg3[%get3A_575, %get3A_576, %get3A_577] : memref<1x64x4096xf32, #tpu.memory_space<vmem>>, vector<1x64x128xf32>
    %get3A_579 = vector.shape_cast %get3A_578 : vector<1x64x128xf32> to vector<64x128xf32>
    %dot_general3A_580 = arith.constant dense<0.000000e+00> : vector<1024x128xf32>
    %dot_general3A_581 = tpu.matmul %get3A_3, %get3A_579, %dot_general3A_580 {dimension_numbers = #tpu.dot_dimension_numbers<[1], [0], [0], [1], [0, 0, 1, 1], [], []>, transpose_lhs_hint = false} : vector<1024x64xf32>, vector<64x128xf32>, vector<1024x128xf32> -> vector<1024x128xf32>
    %mul3A_582 = arith.mulf %get3A_579, %get3A_579 : vector<64x128xf32>
    %reduce_sum3A_583 = arith.constant dense<0.000000e+00> : vector<128xf32>
    %reduce_sum3A_584 = vector.multi_reduction <add>, %mul3A_582, %reduce_sum3A_583 [0] : vector<64x128xf32> to vector<128xf32>
    %broadcast_in_dim3A_585 = vector.shape_cast %reduce_sum3A_584 : vector<128xf32> to vector<1x128xf32>
    %add3A_586 = vector.broadcast %broadcast_in_dim3A_585 : vector<1x128xf32> to vector<1024x128xf32>
    %add3A_587 = arith.addf %dot_general3A_581, %add3A_586 : vector<1024x128xf32>
    %mul3A_588 = arith.constant 32 : i32
    %mul3A_589 = arith.muli %arg1, %mul3A_588 : i32
    %add3A_590 = arith.constant 26 : i32
    %add3A_591 = arith.addi %mul3A_589, %add3A_590 : i32
    %convert_element_type3A_592 = arith.sitofp %add3A_591 : i32 to bf16
    %lt3A_593 = arith.cmpf olt, %add3A_587, %select_n3A_572 : vector<1024x128xf32>
    %select_n3A_594 = arith.select %lt3A_593, %add3A_587, %select_n3A_572 : vector<1024x128xi1>, vector<1024x128xf32>
    %broadcast_in_dim3A_595 = vector.broadcast %convert_element_type3A_592 : bf16 to vector<1024x128xbf16>
    %select_n3A_596 = arith.select %lt3A_593, %broadcast_in_dim3A_595, %select_n3A_574 : vector<1024x128xi1>, vector<1024x128xbf16>
    %get3A_597 = arith.constant 0 : index
    %get3A_598 = arith.constant 0 : index
    %get3A_599 = arith.constant 3456 : index
    %get3A_600 = vector.load %arg3[%get3A_597, %get3A_598, %get3A_599] : memref<1x64x4096xf32, #tpu.memory_space<vmem>>, vector<1x64x128xf32>
    %get3A_601 = vector.shape_cast %get3A_600 : vector<1x64x128xf32> to vector<64x128xf32>
    %dot_general3A_602 = arith.constant dense<0.000000e+00> : vector<1024x128xf32>
    %dot_general3A_603 = tpu.matmul %get3A_3, %get3A_601, %dot_general3A_602 {dimension_numbers = #tpu.dot_dimension_numbers<[1], [0], [0], [1], [0, 0, 1, 1], [], []>, transpose_lhs_hint = false} : vector<1024x64xf32>, vector<64x128xf32>, vector<1024x128xf32> -> vector<1024x128xf32>
    %mul3A_604 = arith.mulf %get3A_601, %get3A_601 : vector<64x128xf32>
    %reduce_sum3A_605 = arith.constant dense<0.000000e+00> : vector<128xf32>
    %reduce_sum3A_606 = vector.multi_reduction <add>, %mul3A_604, %reduce_sum3A_605 [0] : vector<64x128xf32> to vector<128xf32>
    %broadcast_in_dim3A_607 = vector.shape_cast %reduce_sum3A_606 : vector<128xf32> to vector<1x128xf32>
    %add3A_608 = vector.broadcast %broadcast_in_dim3A_607 : vector<1x128xf32> to vector<1024x128xf32>
    %add3A_609 = arith.addf %dot_general3A_603, %add3A_608 : vector<1024x128xf32>
    %mul3A_610 = arith.constant 32 : i32
    %mul3A_611 = arith.muli %arg1, %mul3A_610 : i32
    %add3A_612 = arith.constant 27 : i32
    %add3A_613 = arith.addi %mul3A_611, %add3A_612 : i32
    %convert_element_type3A_614 = arith.sitofp %add3A_613 : i32 to bf16
    %lt3A_615 = arith.cmpf olt, %add3A_609, %select_n3A_594 : vector<1024x128xf32>
    %select_n3A_616 = arith.select %lt3A_615, %add3A_609, %select_n3A_594 : vector<1024x128xi1>, vector<1024x128xf32>
    %broadcast_in_dim3A_617 = vector.broadcast %convert_element_type3A_614 : bf16 to vector<1024x128xbf16>
    %select_n3A_618 = arith.select %lt3A_615, %broadcast_in_dim3A_617, %select_n3A_596 : vector<1024x128xi1>, vector<1024x128xbf16>
    %get3A_619 = arith.constant 0 : index
    %get3A_620 = arith.constant 0 : index
    %get3A_621 = arith.constant 3584 : index
    %get3A_622 = vector.load %arg3[%get3A_619, %get3A_620, %get3A_621] : memref<1x64x4096xf32, #tpu.memory_space<vmem>>, vector<1x64x128xf32>
    %get3A_623 = vector.shape_cast %get3A_622 : vector<1x64x128xf32> to vector<64x128xf32>
    %dot_general3A_624 = arith.constant dense<0.000000e+00> : vector<1024x128xf32>
    %dot_general3A_625 = tpu.matmul %get3A_3, %get3A_623, %dot_general3A_624 {dimension_numbers = #tpu.dot_dimension_numbers<[1], [0], [0], [1], [0, 0, 1, 1], [], []>, transpose_lhs_hint = false} : vector<1024x64xf32>, vector<64x128xf32>, vector<1024x128xf32> -> vector<1024x128xf32>
    %mul3A_626 = arith.mulf %get3A_623, %get3A_623 : vector<64x128xf32>
    %reduce_sum3A_627 = arith.constant dense<0.000000e+00> : vector<128xf32>
    %reduce_sum3A_628 = vector.multi_reduction <add>, %mul3A_626, %reduce_sum3A_627 [0] : vector<64x128xf32> to vector<128xf32>
    %broadcast_in_dim3A_629 = vector.shape_cast %reduce_sum3A_628 : vector<128xf32> to vector<1x128xf32>
    %add3A_630 = vector.broadcast %broadcast_in_dim3A_629 : vector<1x128xf32> to vector<1024x128xf32>
    %add3A_631 = arith.addf %dot_general3A_625, %add3A_630 : vector<1024x128xf32>
    %mul3A_632 = arith.constant 32 : i32
    %mul3A_633 = arith.muli %arg1, %mul3A_632 : i32
    %add3A_634 = arith.constant 28 : i32
    %add3A_635 = arith.addi %mul3A_633, %add3A_634 : i32
    %convert_element_type3A_636 = arith.sitofp %add3A_635 : i32 to bf16
    %lt3A_637 = arith.cmpf olt, %add3A_631, %select_n3A_616 : vector<1024x128xf32>
    %select_n3A_638 = arith.select %lt3A_637, %add3A_631, %select_n3A_616 : vector<1024x128xi1>, vector<1024x128xf32>
    %broadcast_in_dim3A_639 = vector.broadcast %convert_element_type3A_636 : bf16 to vector<1024x128xbf16>
    %select_n3A_640 = arith.select %lt3A_637, %broadcast_in_dim3A_639, %select_n3A_618 : vector<1024x128xi1>, vector<1024x128xbf16>
    %get3A_641 = arith.constant 0 : index
    %get3A_642 = arith.constant 0 : index
    %get3A_643 = arith.constant 3712 : index
    %get3A_644 = vector.load %arg3[%get3A_641, %get3A_642, %get3A_643] : memref<1x64x4096xf32, #tpu.memory_space<vmem>>, vector<1x64x128xf32>
    %get3A_645 = vector.shape_cast %get3A_644 : vector<1x64x128xf32> to vector<64x128xf32>
    %dot_general3A_646 = arith.constant dense<0.000000e+00> : vector<1024x128xf32>
    %dot_general3A_647 = tpu.matmul %get3A_3, %get3A_645, %dot_general3A_646 {dimension_numbers = #tpu.dot_dimension_numbers<[1], [0], [0], [1], [0, 0, 1, 1], [], []>, transpose_lhs_hint = false} : vector<1024x64xf32>, vector<64x128xf32>, vector<1024x128xf32> -> vector<1024x128xf32>
    %mul3A_648 = arith.mulf %get3A_645, %get3A_645 : vector<64x128xf32>
    %reduce_sum3A_649 = arith.constant dense<0.000000e+00> : vector<128xf32>
    %reduce_sum3A_650 = vector.multi_reduction <add>, %mul3A_648, %reduce_sum3A_649 [0] : vector<64x128xf32> to vector<128xf32>
    %broadcast_in_dim3A_651 = vector.shape_cast %reduce_sum3A_650 : vector<128xf32> to vector<1x128xf32>
    %add3A_652 = vector.broadcast %broadcast_in_dim3A_651 : vector<1x128xf32> to vector<1024x128xf32>
    %add3A_653 = arith.addf %dot_general3A_647, %add3A_652 : vector<1024x128xf32>
    %mul3A_654 = arith.constant 32 : i32
    %mul3A_655 = arith.muli %arg1, %mul3A_654 : i32
    %add3A_656 = arith.constant 29 : i32
    %add3A_657 = arith.addi %mul3A_655, %add3A_656 : i32
    %convert_element_type3A_658 = arith.sitofp %add3A_657 : i32 to bf16
    %lt3A_659 = arith.cmpf olt, %add3A_653, %select_n3A_638 : vector<1024x128xf32>
    %select_n3A_660 = arith.select %lt3A_659, %add3A_653, %select_n3A_638 : vector<1024x128xi1>, vector<1024x128xf32>
    %broadcast_in_dim3A_661 = vector.broadcast %convert_element_type3A_658 : bf16 to vector<1024x128xbf16>
    %select_n3A_662 = arith.select %lt3A_659, %broadcast_in_dim3A_661, %select_n3A_640 : vector<1024x128xi1>, vector<1024x128xbf16>
    %get3A_663 = arith.constant 0 : index
    %get3A_664 = arith.constant 0 : index
    %get3A_665 = arith.constant 3840 : index
    %get3A_666 = vector.load %arg3[%get3A_663, %get3A_664, %get3A_665] : memref<1x64x4096xf32, #tpu.memory_space<vmem>>, vector<1x64x128xf32>
    %get3A_667 = vector.shape_cast %get3A_666 : vector<1x64x128xf32> to vector<64x128xf32>
    %dot_general3A_668 = arith.constant dense<0.000000e+00> : vector<1024x128xf32>
    %dot_general3A_669 = tpu.matmul %get3A_3, %get3A_667, %dot_general3A_668 {dimension_numbers = #tpu.dot_dimension_numbers<[1], [0], [0], [1], [0, 0, 1, 1], [], []>, transpose_lhs_hint = false} : vector<1024x64xf32>, vector<64x128xf32>, vector<1024x128xf32> -> vector<1024x128xf32>
    %mul3A_670 = arith.mulf %get3A_667, %get3A_667 : vector<64x128xf32>
    %reduce_sum3A_671 = arith.constant dense<0.000000e+00> : vector<128xf32>
    %reduce_sum3A_672 = vector.multi_reduction <add>, %mul3A_670, %reduce_sum3A_671 [0] : vector<64x128xf32> to vector<128xf32>
    %broadcast_in_dim3A_673 = vector.shape_cast %reduce_sum3A_672 : vector<128xf32> to vector<1x128xf32>
    %add3A_674 = vector.broadcast %broadcast_in_dim3A_673 : vector<1x128xf32> to vector<1024x128xf32>
    %add3A_675 = arith.addf %dot_general3A_669, %add3A_674 : vector<1024x128xf32>
    %mul3A_676 = arith.constant 32 : i32
    %mul3A_677 = arith.muli %arg1, %mul3A_676 : i32
    %add3A_678 = arith.constant 30 : i32
    %add3A_679 = arith.addi %mul3A_677, %add3A_678 : i32
    %convert_element_type3A_680 = arith.sitofp %add3A_679 : i32 to bf16
    %lt3A_681 = arith.cmpf olt, %add3A_675, %select_n3A_660 : vector<1024x128xf32>
    %select_n3A_682 = arith.select %lt3A_681, %add3A_675, %select_n3A_660 : vector<1024x128xi1>, vector<1024x128xf32>
    %broadcast_in_dim3A_683 = vector.broadcast %convert_element_type3A_680 : bf16 to vector<1024x128xbf16>
    %select_n3A_684 = arith.select %lt3A_681, %broadcast_in_dim3A_683, %select_n3A_662 : vector<1024x128xi1>, vector<1024x128xbf16>
    %get3A_685 = arith.constant 0 : index
    %get3A_686 = arith.constant 0 : index
    %get3A_687 = arith.constant 3968 : index
    %get3A_688 = vector.load %arg3[%get3A_685, %get3A_686, %get3A_687] : memref<1x64x4096xf32, #tpu.memory_space<vmem>>, vector<1x64x128xf32>
    %get3A_689 = vector.shape_cast %get3A_688 : vector<1x64x128xf32> to vector<64x128xf32>
    %dot_general3A_690 = arith.constant dense<0.000000e+00> : vector<1024x128xf32>
    %dot_general3A_691 = tpu.matmul %get3A_3, %get3A_689, %dot_general3A_690 {dimension_numbers = #tpu.dot_dimension_numbers<[1], [0], [0], [1], [0, 0, 1, 1], [], []>, transpose_lhs_hint = false} : vector<1024x64xf32>, vector<64x128xf32>, vector<1024x128xf32> -> vector<1024x128xf32>
    %mul3A_692 = arith.mulf %get3A_689, %get3A_689 : vector<64x128xf32>
    %reduce_sum3A_693 = arith.constant dense<0.000000e+00> : vector<128xf32>
    %reduce_sum3A_694 = vector.multi_reduction <add>, %mul3A_692, %reduce_sum3A_693 [0] : vector<64x128xf32> to vector<128xf32>
    %broadcast_in_dim3A_695 = vector.shape_cast %reduce_sum3A_694 : vector<128xf32> to vector<1x128xf32>
    %add3A_696 = vector.broadcast %broadcast_in_dim3A_695 : vector<1x128xf32> to vector<1024x128xf32>
    %add3A_697 = arith.addf %dot_general3A_691, %add3A_696 : vector<1024x128xf32>
    %mul3A_698 = arith.constant 32 : i32
    %mul3A_699 = arith.muli %arg1, %mul3A_698 : i32
    %add3A_700 = arith.constant 31 : i32
    %add3A_701 = arith.addi %mul3A_699, %add3A_700 : i32
    %convert_element_type3A_702 = arith.sitofp %add3A_701 : i32 to bf16
    %lt3A_703 = arith.cmpf olt, %add3A_697, %select_n3A_682 : vector<1024x128xf32>
    %select_n3A_704 = arith.select %lt3A_703, %add3A_697, %select_n3A_682 : vector<1024x128xi1>, vector<1024x128xf32>
    %broadcast_in_dim3A_705 = vector.broadcast %convert_element_type3A_702 : bf16 to vector<1024x128xbf16>
    %select_n3A_706 = arith.select %lt3A_703, %broadcast_in_dim3A_705, %select_n3A_684 : vector<1024x128xi1>, vector<1024x128xbf16>
    %swap3A = arith.constant 0 : index
    %swap3A_707 = arith.constant 0 : index
    %swap3A_708 = vector.load %arg7[%swap3A, %swap3A_707] : memref<1024x128xf32, #tpu.memory_space<vmem>>, vector<1024x128xf32>
    tpu.vector_store %arg7[%swap3A, %swap3A_707], %select_n3A_704 {strides = array<i32>} : memref<1024x128xf32, #tpu.memory_space<vmem>>, vector<1024x128xf32>,
    %swap3A_709 = arith.constant 0 : index
    %swap3A_710 = arith.constant 0 : index
    %swap3A_711 = vector.load %arg8[%swap3A_709, %swap3A_710] : memref<1024x128xbf16, #tpu.memory_space<vmem>>, vector<1024x128xbf16>
    tpu.vector_store %arg8[%swap3A_709, %swap3A_710], %select_n3A_706 {strides = array<i32>} : memref<1024x128xbf16, #tpu.memory_space<vmem>>, vector<1024x128xbf16>,
    %get3A_712 = arith.constant 0 : index
    %get3A_713 = arith.constant 0 : index
    %get3A_714 = arith.constant 0 : index
    %get3A_715 = vector.load %arg3[%get3A_712, %get3A_713, %get3A_714] : memref<1x64x4096xf32, #tpu.memory_space<vmem>>, vector<1x64x4096xf32>
    %get3A_716 = vector.shape_cast %get3A_715 : vector<1x64x4096xf32> to vector<64x4096xf32>
    %transpose3A = tpu.transpose %get3A_716, [1, 0] : vector<64x4096xf32> -> vector<4096x64xf32>
    %get3A_717 = arith.constant 0 : index
    %get3A_718 = arith.constant 0 : index
    %get3A_719 = arith.constant 0 : index
    %get3A_720 = vector.load %arg4[%get3A_717, %get3A_718, %get3A_719] : memref<1x64x4096xf32, #tpu.memory_space<vmem>>, vector<1x64x4096xf32>
    %get3A_721 = vector.shape_cast %get3A_720 : vector<1x64x4096xf32> to vector<64x4096xf32>
    %transpose3A_722 = tpu.transpose %get3A_721, [1, 0] : vector<64x4096xf32> -> vector<4096x64xf32>
    %concatenate3A = tpu.concatenate %transpose3A, %transpose3A_722 in 1 : vector<4096x64xf32>, vector<4096x64xf32> -> vector<4096x128xf32>
    %swap3A_723 = arith.constant 0 : index
    %swap3A_724 = arith.constant 0 : index
    %swap3A_725 = arith.constant 0 : index
    %swap3A_726 = vector.load %arg6[%swap3A_723, %swap3A_724, %swap3A_725] : memref<1x4096x128xf32, #tpu.memory_space<vmem>>, vector<1x4096x128xf32>
    %swap3A_727 = vector.shape_cast %swap3A_726 : vector<1x4096x128xf32> to vector<4096x128xf32>
    %swap3A_728 = vector.shape_cast %concatenate3A : vector<4096x128xf32> to vector<1x4096x128xf32>
    tpu.vector_store %arg6[%swap3A_723, %swap3A_724, %swap3A_725], %swap3A_728 {strides = array<i32>} : memref<1x4096x128xf32, #tpu.memory_space<vmem>>, vector<1x4096x128xf32>,
    %eq3A_729 = arith.constant 1 : i32
    %eq3A_730 = arith.cmpi eq, %arg1, %eq3A_729 : i32
    %convert_element_type3A_731 = arith.extui %eq3A_730 : i1 to i32
    %cond3A_732 = arith.constant 0 : i32
    %cond3A_733 = arith.cmpi ne, %convert_element_type3A_731, %cond3A_732 : i32
    scf.if %cond3A_733 {
      %iota3A = tpu.iota {dimensions = array<i32: 1>} : vector<1024x128xi32>
      %convert_element_type3A_734 = arith.sitofp %iota3A : vector<1024x128xi32> to vector<1024x128xf32>
      %convert_element_type3A_735 = arith.extf %select_n3A_706 : vector<1024x128xbf16> to vector<1024x128xf32>
      %mul3A_736 = arith.constant 1.280000e+02 : f32
      %mul3A_737 = vector.broadcast %mul3A_736 : f32 to vector<1024x128xf32>
      %mul3A_738 = arith.mulf %convert_element_type3A_735, %mul3A_737 : vector<1024x128xf32>
      %add3A_739 = arith.addf %mul3A_738, %convert_element_type3A_734 : vector<1024x128xf32>
      %reduce_min3A = arith.constant dense<0x7F800000> : vector<1024xf32>
      %reduce_min3A_740 = vector.multi_reduction <minimumf>, %select_n3A_704, %reduce_min3A [1] : vector<1024x128xf32> to vector<1024xf32>
      %broadcast_in_dim3A_741 = vector.shape_cast %reduce_min3A_740 : vector<1024xf32> to vector<1024x1xf32>
      %eq3A_742 = vector.broadcast %broadcast_in_dim3A_741 : vector<1024x1xf32> to vector<1024x128xf32>
      %eq3A_743 = arith.cmpf oeq, %select_n3A_704, %eq3A_742 : vector<1024x128xf32>
      %jit3A = arith.constant 3.000000e+38 : f32
      %broadcast_in_dim3A_744 = vector.broadcast %jit3A : f32 to vector<1024x128xf32>
      %select_n3A_745 = arith.select %eq3A_743, %add3A_739, %broadcast_in_dim3A_744 : vector<1024x128xi1>, vector<1024x128xf32>
      %reduce_min3A_746 = arith.constant dense<0x7F800000> : vector<1024xf32>
      %reduce_min3A_747 = vector.multi_reduction <minimumf>, %select_n3A_745, %reduce_min3A_746 [1] : vector<1024x128xf32> to vector<1024xf32>
      %broadcast_in_dim3A_748 = vector.shape_cast %reduce_min3A_747 : vector<1024xf32> to vector<1024x1xf32>
      %convert_element_type3A_749 = arith.fptosi %broadcast_in_dim3A_748 : vector<1024x1xf32> to vector<1024x1xi32>
      %mul3A_750 = arith.constant 8192 : i32
      %mul3A_751 = arith.muli %arg0, %mul3A_750 : i32
      %add3A_752 = vector.broadcast %mul3A_751 : i32 to vector<1024x1xi32>
      %add3A_753 = arith.addi %convert_element_type3A_749, %add3A_752 : vector<1024x1xi32>
      %swap3A_754 = arith.constant 0 : index
      %swap3A_755 = arith.constant 0 : index
      %swap3A_756 = arith.constant 0 : index
      %swap3A_757 = vector.load %arg5[%swap3A_754, %swap3A_755, %swap3A_756] : memref<1x1024x1xi32, #tpu.memory_space<vmem>>, vector<1x1024x1xi32>
      %swap3A_758 = vector.shape_cast %swap3A_757 : vector<1x1024x1xi32> to vector<1024x1xi32>
      %swap3A_759 = vector.shape_cast %add3A_753 : vector<1024x1xi32> to vector<1x1024x1xi32>
      tpu.vector_store %arg5[%swap3A_754, %swap3A_755, %swap3A_756], %swap3A_759 {strides = array<i32>} : memref<1x1024x1xi32, #tpu.memory_space<vmem>>, vector<1x1024x1xi32>,
    } else {
    }
    return
  }
  func.func @transform_0(%arg0: i32, %arg1: i32) -> (i32, i32, i32) {
    %c0_i32 = arith.constant 0 : i32
    %c0_i32_0 = arith.constant 0 : i32
    %c0_i32_1 = arith.constant 0 : i32
    return %arg0, %c0_i32, %c0_i32_0 : i32, i32, i32
  }
  func.func @transform_1(%arg0: i32, %arg1: i32) -> (i32, i32, i32) {
    %c0_i32 = arith.constant 0 : i32
    %c0_i32_0 = arith.constant 0 : i32
    return %arg0, %c0_i32, %arg1 : i32, i32, i32
  }
  func.func @transform_2(%arg0: i32, %arg1: i32) -> (i32, i32, i32) {
    %c0_i32 = arith.constant 0 : i32
    %c0_i32_0 = arith.constant 0 : i32
    return %arg0, %c0_i32, %arg1 : i32, i32, i32
  }
  func.func @transform_3(%arg0: i32, %arg1: i32) -> (i32, i32, i32) {
    %c0_i32 = arith.constant 0 : i32
    %c0_i32_0 = arith.constant 0 : i32
    %c0_i32_1 = arith.constant 0 : i32
    return %arg0, %c0_i32, %c0_i32_0 : i32, i32, i32
  }
  func.func @transform_4(%arg0: i32, %arg1: i32) -> (i32, i32, i32) {
    %c0_i32 = arith.constant 0 : i32
    %c0_i32_0 = arith.constant 0 : i32
    return %arg0, %arg1, %c0_i32 : i32, i32, i32
  }
}

module attributes {stable_mosaic.version = 14 : i64} {
  func.func @_reduce_body(%arg0: memref<32x16xf32, #tpu.memory_space<vmem>>, %arg1: memref<1x1xf32, #tpu.memory_space<vmem>>) attributes {dimension_semantics = [], scalar_prefetch = 0 : i64, scratch_operands = 0 : i64, tpu.core_type = #tpu.core_type<tc>} {
    %get3A = arith.constant 0 : index
    %get3A_0 = arith.constant 0 : index
    %get3A_1 = vector.load %arg0[%get3A, %get3A_0] : memref<32x16xf32, #tpu.memory_space<vmem>>, vector<32x16xf32>
    %reduce_sum3A = vector.shape_cast %get3A_1 : vector<32x16xf32> to vector<1x32x16xf32>
    %reduce_sum3A_2 = arith.constant dense<0.000000e+00> : vector<1xf32>
    %reduce_sum3A_3 = vector.multi_reduction <add>, %reduce_sum3A, %reduce_sum3A_2 [1, 2] : vector<1x32x16xf32> to vector<1xf32>
    %reduce_sum3A_4 = vector.shape_cast %reduce_sum3A_3 : vector<1xf32> to vector<1x1x1xf32>
    %reduce_sum3A_5 = vector.extract %reduce_sum3A_4[0, 0, 0] : f32 from vector<1x1x1xf32>
    %broadcast_in_dim3A = vector.broadcast %reduce_sum3A_5 : f32 to vector<1x1xf32>
    %mul3A = arith.constant 2.44140625E-4 : f32
    %mul3A_6 = vector.broadcast %mul3A : f32 to vector<1x1xf32>
    %mul3A_7 = arith.mulf %broadcast_in_dim3A, %mul3A_6 : vector<1x1xf32>
    %swap3A = arith.constant 0 : index
    %swap3A_8 = arith.constant 0 : index
    %swap3A_9 = vector.load %arg1[%swap3A, %swap3A_8] : memref<1x1xf32, #tpu.memory_space<vmem>>, vector<1x1xf32>
    tpu.vector_store %arg1[%swap3A, %swap3A_8], %mul3A_7 {strides = array<i32>} : memref<1x1xf32, #tpu.memory_space<vmem>>, vector<1x1xf32>,
    return
  }
}

</mosaic_0001>

<sc_bundles>
// kernel: kernel.5.cloned.1.call-start
scs
__scs_entry_jumppad:
0x0: {  	(pc) =	sbr.rel $0x88, $3  }
0x1: {  	(tag) =	ssettag $0x0;
	lr =	simm.s32 $0x1  }
0x2: {  	[smem:$0x3F9E] =	sst lr;
	_ =	strace $0xD0000000  }
0x3: {  	_ = 	snop  }
0x4: {  	_ = 	snop  }
0x5: {  	_ = 	snop  }
0x6: {  	_ = 	snop  }
0x7: {  	_ = 	snop  }
__scs_overlays_trampoline_lowered:
0x8: {  	[smem:$0x3FAD] =	sst s0  }
0x9: {  	[smem:$0x3FAE] =	sst s1  }
0xa: {  	[smem:$0x3FAF] =	sst s2  }
0xb: {  	[smem:$0x3FB0] =	sst s3  }
0xc: {  	[smem:$0x3FB1] =	sst s4  }
0xd: {  	[smem:$0x3FB2] =	sst s5  }
0xe: {  	[smem:$0x3FB3] =	sst s6  }
0xf: {  	[smem:$0x3FB4] =	sst s7  }
0x10: {  	[smem:$0x3FB5] =	sst s8  }
0x11: {  	[smem:$0x3FB6] =	sst s9;
	s0 =	simm.s32 @!p0 $0x0  }
0x12: {  	s1 =	sld [smem:$0x3F9C];
	s0 =	simm.s32 @p0 $0x1  }
0x13: {  	[smem:$0x3FB7] =	sst s0;
	s0 =	simm.s32 @!p1 $0x0  }
0x14: {  	s2 =	sld [smem:$0x3F9B];
	s0 =	simm.s32 @p1 $0x1  }
0x15: {  	[smem:$0x3FB8] =	sst s0;
	s0 =	simm.s32 @!p2 $0x0  }
0x16: {  	s3 =	sld [smem:$0x3FDB];
	s0 =	simm.s32 @p2 $0x1  }
0x17: {  	s4 =	simm.s32 $0x1BF5;
	[smem:$0x3FBA] =	sst s0  }
0x18: {  	s0 =	sld [smem:$0x3F9D];
	_ =	swait.ge [sflag:s4], $0x0  }
0x19: {  	s7 =	sld [smem:$0x3F9E]  }
0x1a: {  	s8 =	sadd.s32 $0xFFFFE003, lr  }
0x1b: {  	s9 =	sadd.s32 $0xFFFFFEF7, lr;
	s5 =	simm.s32 $0xFFFFFFFF;
	p2 =	slt.u32 s8, $0xFFFFF086  }
0x1c: {  	p1 =	slt.u32 s9, $0xF7A;
	s5 =	simm.s32 @!p2 $0x0  }
0x1d: {  	s5 =	simm.s32 @p1 $0x1;
	p0 =	seq.s32 s7, s2  }
0x1e: {  	s7 =	smul.u32 @!p0 $0xF7A, s2;
	p2 =	seq.s32 @!p0 s5, $0x0  }
0x1f: {  	s9 =	smul.u32 $0xF7A, s1;
	s8 =	simm.s32 @!p0 $0x1BF5;
	p2 =	por !p2, p0  }
0x20: {  	[sflag:s8] =	ssyncset.s32 @!p0 $0xFFFFF086;
	s6 =	sadd.s32 @!p0 s3, s7;
	s7 =	simm.s32 @!p0 $0x108  }
0x21: {  	s3 =	sadd.s32 s3, s9;
	s6 =	sadd.s32 @!p0 $0x88, s6;
	s7 =	simm.s32 @p2 $0x1082  }
0x22: {  	[simem:s7], [sflag:s8] =	dma.local @!p0 [hbm:s6], $0xF7A  }
0x23: {  	s9 =	sor.u32 $0xD0000000, s2;
	s6 =	simm.s32 $0x108;
	_ =	swait.ge @!p0 [sflag:s8], $0x0  }
0x24: {  	s3 =	sadd.s32 $0x88, s3;
	s6 =	simm.s32 @!p1 $0x1082;
	[sflag:s4] =	ssyncset.s32 $0xFFFFF086  }
0x25: {  	[simem:s6], [sflag:s4] =	dma.local [hbm:s3], $0xF7A  }
0x26: {  	[smem:$0x3F9E] =	sst s1;
	(tag) =	ssettag s2;
	_ =	strace s9  }
0x27: {  	s1 =	sld [smem:$0x3FAE]  }
0x28: {  	s2 =	sld [smem:$0x3FAF]  }
0x29: {  	s4 =	sld [smem:$0x3FB1]  }
0x2a: {  	p0 =	seq.s32 s5, $0x0;
	s5 =	sld [smem:$0x3FB2]  }
0x2b: {  	s6 =	sld [smem:$0x3FB3]  }
0x2c: {  	s7 =	sld [smem:$0x3FB4]  }
0x2d: {  	s3 =	simm.s32 $0x108;
	s8 =	sld [smem:$0x3FB5]  }
0x2e: {  	s3 =	simm.s32 @!p0 $0x1082;
	s9 =	sld [smem:$0x3FB6]  }
0x2f: {  	lr =	sadd.s32 s0, s3;
	s0 =	sld [smem:$0x3FAD]  }
0x30: {  	s3 =	sld [smem:$0x3FB0]  }
0x31: {  	[smem:$0x3FB9] =	sst s10  }
0x32: {  	s10 =	sld [smem:$0x3FB7];
	_ =	sdelay $0x3  }
0x33: {  	p0 =	seq.s32 s10, $0x1;
	s10 =	sld [smem:$0x3FB9];
	_ =	sdelay $0x3  }
0x34: {  	[smem:$0x3FB9] =	sst s10  }
0x35: {  	s10 =	sld [smem:$0x3FB8];
	_ =	sdelay $0x3  }
0x36: {  	p1 =	seq.s32 s10, $0x1;
	s10 =	sld [smem:$0x3FB9];
	_ =	sdelay $0x3  }
0x37: {  	[smem:$0x3FB9] =	sst s10  }
0x38: {  	s10 =	sld [smem:$0x3FBA]  }
0x39: {  	_ = 	snop;
	(pc) =	sbr.ind lr, $3  }
0x3a: {  	_ = 	snop  }
0x3b: {  	_ = 	snop  }
0x3c: {  	p2 =	seq.s32 s10, $0x1;
	s10 =	sld [smem:$0x3FB9]  }
0x3d: {  	_ =	shalt  }
0x3e: {  	_ =	shalt  }
0x3f: {  	_ =	shalt  }
0x40: {  	_ =	shalt  }
0x41: {  	_ =	shalt  }
0x42: {  	_ =	shalt  }
0x43: {  	_ =	shalt  }
0x44: {  	_ =	shalt  }
0x45: {  	_ =	shalt  }
0x46: {  	_ =	shalt  }
0x47: {  	_ =	shalt  }
0x48: {  	_ =	shalt  }
0x49: {  	_ =	shalt  }
0x4a: {  	_ =	shalt  }
0x4b: {  	_ =	shalt  }
0x4c: {  	_ =	shalt  }
0x4d: {  	_ =	shalt  }
0x4e: {  	_ =	shalt  }
0x4f: {  	_ =	shalt  }
0x50: {  	_ =	shalt  }
0x51: {  	_ =	shalt  }
0x52: {  	_ =	shalt  }
0x53: {  	_ =	shalt  }
0x54: {  	_ =	shalt  }
0x55: {  	_ =	shalt  }
0x56: {  	_ =	shalt  }
0x57: {  	_ =	shalt  }
0x58: {  	_ =	shalt  }
0x59: {  	_ =	shalt  }
0x5a: {  	_ =	shalt  }
0x5b: {  	_ =	shalt  }
0x5c: {  	_ =	shalt  }
0x5d: {  	_ =	shalt  }
0x5e: {  	_ =	shalt  }
0x5f: {  	_ =	shalt  }
0x60: {  	_ =	shalt  }
0x61: {  	_ =	shalt  }
0x62: {  	_ =	shalt  }
0x63: {  	_ =	shalt  }
0x64: {  	_ =	shalt  }
0x65: {  	_ =	shalt  }
0x66: {  	_ =	shalt  }
0x67: {  	_ =	shalt  }
0x68: {  	_ =	shalt  }
0x69: {  	_ =	shalt  }
0x6a: {  	_ =	shalt  }
0x6b: {  	_ =	shalt  }
0x6c: {  	_ =	shalt  }
0x6d: {  	_ =	shalt  }
0x6e: {  	_ =	shalt  }
0x6f: {  	_ =	shalt  }
0x70: {  	_ =	shalt  }
0x71: {  	_ =	shalt  }
0x72: {  	_ =	shalt  }
0x73: {  	_ =	shalt  }
0x74: {  	_ =	shalt  }
0x75: {  	_ =	shalt  }
0x76: {  	_ =	shalt  }
0x77: {  	_ =	shalt  }
0x78: {  	_ =	shalt  }
0x79: {  	_ =	shalt  }
0x7a: {  	_ =	shalt  }
0x7b: {  	_ =	shalt  }
0x7c: {  	_ =	shalt  }
0x7d: {  	_ =	shalt  }
0x7e: {  	_ =	shalt  }
0x7f: {  	_ =	shalt  }
0x80: {  	_ =	shalt  }
0x81: {  	_ =	shalt  }
0x82: {  	_ =	shalt  }
0x83: {  	_ =	shalt  }
0x84: {  	_ =	shalt  }
0x85: {  	_ =	shalt  }
0x86: {  	_ =	shalt  }
0x87: {  	_ =	shalt  }
.Lfunc_end0:
.L_simem_size_0:
called_computation_lowered:
.L_overlay_start_0:
0x88: {  	s2 =	sld [smem:$0x3FD9]  }
0x89: {  	s3 =	sld [smem:$0x3FFE];
	_ =	sdelay $0x1  }
0x8a: {  	s1 =	srdreg.scid  }
0x8b: {  	s0 =	sand.u32 $0x1, s1  }
0x8c: {  	s16 =	sshll.u32 s0, $0xA;
	s2 =	sadd.s32 s3, s2  }
0x8d: {  	s2 =	sadd.s32 s2, s16  }
0x8e: {  	[smem:$0x3FC5] =	sst s2  }
0x8f: {  	_ = 	snop  }
0x90: {  	(tm) =	ssettm $0x1  }
0x91: {  	s17 =	sld [smem:$0x3FFB];
	_ =	sdelay $0x3  }
0x92: {  	_ =	strace s17  }
0x93: {  	s2 =	sld [smem:$0x3FFC];
	_ =	sdelay $0x3  }
0x94: {  	_ =	strace s2  }
0x95: {  	s2 =	sld [smem:$0x3FFD];
	_ =	sdelay $0x3  }
0x96: {  	_ =	strace s2  }
0x97: {  	_ =	strace $0x8FFFFFFF  }
0x98: {  	s18 =	sld [smem:$0x3FDB];
	_ =	sdelay $0x1  }
0x99: {  	s19 =	simm.s32 $_scs_section_size  }
0x9a: {  	s4 =	simm.s32 $_size__tile_overlayer_lowered;
	s5 =	simm.s32 $_tile_overlayer_lowered  }
0x9b: {  	s22 =	simm.s32 $0x1BFF;
	s21 =	sshll.u32 s5, $0x1;
	s2 =	sadd.s32 s19, s18  }
0x9c: {  	s6 =	simm.s32 $0x0;
	s20 =	sshll.u32 s4, $0x1;
	s4 =	sadd.s32 s21, s2  }
0x9d: {  	[timem:s6], [sflag:s22] =	dma.local [hbm:s4], s20  }
0x9e: {  	_ =	swait.ge [sflag:s22], s20  }
0x9f: {  	s3 =	ssub.s32 $0x0, s20;
	[sflag:s22] =	ssyncset.done $0x0  }
0xa0: {  	[sflag:s22] =	ssyncadd.s32 s3;
	_ =	sdelay $0x1  }
0xa1: {  	s23 =	simm.s32 $0x1B8B  }
0xa2: {  	_ =	swait.ge [sflag:s23], $0x1  }
0xa3: {  	[sflag:s23] =	ssyncset.done $0x0  }
0xa4: {  	s25 =	simm.s32 $0x1B8E;
	s24 =	sld [smem:$0x3FFE];
	[sflag:s23] =	ssyncadd.s32 $0xFFFFFFFF  }
0xa5: {  	s26 =	simm.s32 $execute0_lowered;
	[smem:$0x3FD2] =	sst s25  }
0xa6: {  	s4 =	sshll.u32 s26, $0x1;
	_ =	strace $0x80000046;
	[dreg:$0x1] =	wrdreg $0xFFFFFFFF  }
0xa7: {  	s28 =	simm.s32 $_size_execute0_lowered;
	s2 =	sadd.s32 s2, s4;
	[dreg:$0x0] =	wrdreg $0x0  }
0xa8: {  	s4 =	sshll.u32 s28, $0x1;
	[dreg:$0x2] =	wrdreg s2  }
0xa9: {  	[dreg:$0x3] =	wrdreg s4  }
0xaa: {  	[dreg:$0x4] =	wrdreg $0xC0  }
0xab: {  	_ =	task [dreg:s6], $0x5FFFF  }
0xac: {  	[dreg:$0x1] =	wrdreg $0xFFFFFFFF  }
0xad: {  	[dreg:$0x0] =	wrdreg $0x60  }
0xae: {  	[dreg:$0x2] =	wrdreg s24  }
0xaf: {  	[dreg:$0x3] =	wrdreg $0x9  }
0xb0: {  	_ =	task.clear_ibuf [dreg:s6], $0x4FFFF;
	_ =	strace $0x90000046  }
0xb1: {  	s29 =	simm.s32 $0x9;
	_ =	strace $0x80000048  }
0xb2: {  	_ =	swait.ge [sflag:s29], $0x1  }
0xb3: {  	[sflag:s29] =	ssyncadd.s32 $0xFFFFFFFF  }
0xb4: {  	_ =	strace $0x90000048  }
0xb5: {  	_ =	sfence  }
0xb6: {  	s30 =	sld [smem:$0x0];
	_ =	sdelay $0x2  }
0xb7: {  	s31 =	sshll.u32 s1, $0xD;
	s1 =	sshrl.u32 s1, $0x2  }
0xb8: {  	s3 =	sand.u32 $0x4000, s31;
	s1 =	sadd.s32 s1, s30  }
0xb9: {  	s0 =	sor.u32 s3, s0;
	s1 =	sshll.u32 s1, $0x11  }
0xba: {  	s0 =	sor.u32 s1, s0  }
0xbb: {  	s0 =	sadd.s32 $0x8F2B, s0  }
0xbc: {  	[sflag:s0] =	ssyncadd.remote.s32 $0x1  }
0xbd: {  	_ =	sfence.sel $0xFFFF  }
0xbe: {  	[dreg:$0x0] =	wrdreg $0xFFFFFFFF;
	(pc) =	sbr.abs _section_cstart, $3  }
0xbf: {  	[dreg:$0x1] =	wrdreg $0xFFFFFFFF  }
0xc0: {  	_ =	task.clear_ibuf [dreg:s6], $0x2FFFF;
	_ =	strace $0x9FFFFFFF  }
0xc1: {  	(tm) =	ssettm $0x7FFFFFFF  }
tec
execute0_lowered:
.L_overlay_start_1:
0x0: {  	(tag) =	ssettag $0x1  }
0x1: {  	s3 =	rddreg [dreg:$0x0]  }
0x2: {  	s0 =	rddreg [dreg:$0x1];
	s2 =	simm.s32 $0x0;
	s4 =	srdreg.scid  }
0x3: {  	s1 =	stileid.u32;
	s9 =	simm.s32 $0x80;
	s10 =	simm.s32 $0x4080  }
0x4: {  	s11 =	simm.s32 $0x1;
	s12 =	simm.s32 $0x8080;
	s13 =	simm.s32 $0x0  }
0x5: {  	[smem:$0x7FF] =	sst s2;
	s4 =	sand.u32 $0x1, s4;
	s5 =	sshll.u32 s1, $0x1  }
0x6: {  	_ =	strace $0x80000047;
	s5 =	sor.u32 s4, s5;
	s4 =	ssub.s32 $0x2, s4  }
0x7: {  	s6 =	sshll.u32 s5, $0xB;
	s5 =	sshll.u32 s5, $0x4;
	s31 =	sshrl.u32 s4, $0x1  }
0x8: {  	s6 =	sadd.s32 s6, s3;
	s7 =	sadd.s32 s5, s3;
	s3 =	sadd.s32 $0x10A00, s3  }
0x9: {  	s8 =	ssub.s32 s4, s31;
	s4 =	sadd.s32 $0x90A00, s7;
	s5 =	sadd.s32 $0xA00, s6  }
0xa: {  	v0 =	vlaneseq.u32;
	s6 =	sadd.s32 $0x90C00, s7;
	s7 =	smax.u32 s8, $0x1;
	s8 =	simm.s32 $0x2  }
.LBB2_1:
0xb: {  	[tilespmem:s2], [sflag:$0x2] =	stream.linear.gather [hbm4b:s4+s2], $0x80, $0x38;
	[tilespmem:$0x8100] =	vst v63  }
0xc: {  	_ =	swait.ge [sflag:s8], $0x80  }
0xd: {  	[sflag:s8] =	ssyncset.done $0x0  }
0xe: {  	[sflag:s8] =	ssyncadd.s32 $0xFFFFFF80  }
0xf: {  	[tilespmem:s10], [sflag:$0x1] =	stream.indirect.gather [hbm4b:s3+s9], $0x80, s2, s9, $0xb8;
	[tilespmem:$0x8100] =	vst v63  }
0x10: {  	_ = 	snop  }
0x11: {  	[tilespmem:s9], [sflag:$0x2] =	stream.linear.gather [hbm4b:s5+s2], $0x4000, $0x38;
	[tilespmem:$0x8100] =	vst v63  }
0x12: {  	_ =	swait.ge [sflag:s8], $0x4000  }
0x13: {  	[sflag:s8] =	ssyncset.done $0x0  }
0x14: {  	[sflag:s8] =	ssyncadd.s32 $0xFFFFC000  }
0x15: {  	_ =	swait.ge [sflag:s11], $0x4000  }
0x16: {  	s14 =	simm.s32 $0x180;
	[sflag:s11] =	ssyncset.done $0x0  }
0x17: {  	v1 =	vimm.f32 $0.0e+00;
	s15 =	simm.s32 $0x4180;
	s16 =	simm.s32 $0x0;
	[sflag:s11] =	ssyncadd.s32 $0xFFFFC000  }
.LBB2_2:
0x18: {  	v5 =	vld [tilespmem:s15+$0x70]  }
0x19: {  	v4 =	vld [tilespmem:s15+$0xFFFFFFF0]  }
0x1a: {  	v3 =	vld [tilespmem:s15+$0xE0]  }
0x1b: {  	v2 =	vld [tilespmem:s14+$0xB0]  }
0x1c: {  	v10 =	vld [tilespmem:s15+$0x60]  }
0x1d: {  	v6 =	vld [tilespmem:s14+$0x30]  }
0x1e: {  	v13 =	vld [tilespmem:s15+$0x30]  }
0x1f: {  	v9 =	vld [tilespmem:s15+$0xFFFFFFE0]  }
0x20: {  	v23 =	vld [tilespmem:s14+$0xFFFFFFB0]  }
0x21: {  	v37 =	vld [tilespmem:s15+$0xFFFFFFB0]  }
0x22: {  	v38 =	vld [tilespmem:s14+$0xA0]  }
0x23: {  	v39 =	vld [tilespmem:s15+$0xA0]  }
0x24: {  	v7 =	vld [tilespmem:s15+$0xFFFFFF60]  }
0x25: {  	v8 =	vld [tilespmem:s14+$0xFFFFFF30]  }
0x26: {  	v12 =	vld [tilespmem:s15+$0x50]  }
0x27: {  	v14 =	vld [tilespmem:s14+$0x20]  }
0x28: {  	v15 =	vld [tilespmem:s15+$0x20]  }
0x29: {  	v11 =	vld [tilespmem:s15+$0xFFFFFFD0]  }
0x2a: {  	v16 =	vld [tilespmem:s14+$0xFFFFFFA0]  }
0x2b: {  	v20 =	vld [tilespmem:s15+$0xFFFFFFA0]  }
0x2c: {  	v18 =	vld [tilespmem:s14+$0x90]  }
0x2d: {  	v22 =	vld [tilespmem:s15+$0x90]  }
0x2e: {  	v19 =	vld [tilespmem:s14+$0xFFFFFF20]  }
0x2f: {  	v21 =	vld [tilespmem:s15+$0xFFFFFF20]  }
0x30: {  	v29 =	vld [tilespmem:s15+$0x40]  }
0x31: {  	v30 =	vld [tilespmem:s14+$0x10]  }
0x32: {  	v31 =	vld [tilespmem:s15+$0x10]  }
0x33: {  	v25 =	vld [tilespmem:s15+$0xFFFFFFC0]  }
0x34: {  	v26 =	vld [tilespmem:s14+$0xFFFFFF90]  }
0x35: {  	v27 =	vld [tilespmem:s15+$0xFFFFFF90]  }
0x36: {  	v24 =	vld [tilespmem:s14+$0x0]  }
0x37: {  	v33 =	vld [tilespmem:s15+$0x0]  }
0x38: {  	v17 =	vld [tilespmem:s14+$0x80]  }
0x39: {  	v34 =	vld [tilespmem:s14+$0xFFFFFF80]  }
0x3a: {  	v35 =	vld [tilespmem:s15+$0xFFFFFF80]  }
0x3b: {  	v28 =	vld [tilespmem:s14+$0xFFFFFF10]  }
0x3c: {  	v32 =	vld [tilespmem:s14+$0xFFFFFF00];
	s17 =	simm.s32 $0x0;
	v36 =	vsub.f32 v24, v33;
	v24 =	vsub.f32 v6, v13  }
0x3d: {  	s19 =	simm.s32 $0x4;
	s18 =	smov.u32 s15;
	s20 =	smov.u32 s14;
	v33 =	vld [tilespmem:s15+$0xFFFFFF00];
	v23 =	vsub.f32 v23, v37;
	v13 =	vsub.f32 v38, v39;
	v6 =	vimm.f32 $0.0e+00  }
.LBB2_3:
0x3e: {  	p0 =	slt.u32 s19, $0xC;
	v37 =	vld [tilespmem:s18+$0xFFFFFF10];
	v29 =	vmul.f32 v29, v36;
	v30 =	vsub.f32 v30, v31;
	v14 =	vsub.f32 v14, v15  }
0x3f: {  	v16 =	vsub.f32 v16, v20;
	v15 =	vld [tilespmem:s18+$0xFFFFFF40];
	v31 =	vsub.f32 v34, v35  }
0x40: {  	v18 =	vsub.f32 v18, v22;
	v20 =	vadd.f32 $0.0e+00, v29;
	v12 =	vmul.f32 v12, v30;
	v29 =	vld [tilespmem:s18+$0x80]  }
0x41: {  	v19 =	vsub.f32 v19, v21;
	v22 =	vld [tilespmem:s18+$0xFFFFFF50];
	v21 =	vmul.f32 v25, v31;
	v25 =	vsub.f32 v26, v27  }
0x42: {  	v10 =	vmul.f32 v10, v14;
	v26 =	vsub.f32 v32, v33;
	v12 =	vadd.f32 v12, v20;
	v14 =	vld [tilespmem:s18+$0xC0]  }
0x43: {  	v20 =	vsub.f32 v28, v37;
	v27 =	vld [tilespmem:s18+$0xFFFFFF30];
	v21 =	vadd.f32 $0.0e+00, v21;
	v11 =	vmul.f32 v11, v25  }
0x44: {  	v5 =	vmul.f32 v5, v24;
	v15 =	vmul.f32 v15, v26;
	v10 =	vadd.f32 v10, v12;
	v12 =	vld [tilespmem:s18+$0xD0]  }
0x45: {  	v9 =	vmul.f32 v9, v16;
	v24 =	vld [tilespmem:s18+$0xFFFFFF70];
	v11 =	vadd.f32 v11, v21;
	v16 =	vsub.f32 v17, v29  }
0x46: {  	v15 =	vadd.f32 $0.0e+00, v15;
	v17 =	vmul.f32 v22, v20;
	v10 =	vadd.f32 v5, v10;
	v20 =	vld [tilespmem:s18+$0xB0]  }
0x47: {  	v9 =	vadd.f32 v9, v11;
	v11 =	vmul.f32 v4, v23;
	v14 =	vmul.f32 v14, v16;
	v16 =	vld [tilespmem:s18+$0xF0];
	s18 =	sadd.s32 $0x200, s18  }
0x48: {  	v7 =	vmul.f32 v7, v19;
	v5 =	vld [tilespmem:s18+$0x70];
	v15 =	vadd.f32 v17, v15;
	v8 =	vsub.f32 v8, v27;
	(xrf2) =	vadd.scan.msk.f32 $0xffff, v10  }
0x49: {  	v4 =	vld [tilespmem:s18+$0xFFFFFFF0];
	v9 =	vadd.f32 v11, v9;
	v10 =	vadd.f32 $0.0e+00, v14;
	v11 =	vmul.f32 v12, v18  }
0x4a: {  	s20 =	sadd.s32 $0x200, s20;
	v12 =	vld [tilespmem:s18+$0xE0];
	v7 =	vadd.f32 v7, v15;
	v8 =	vmul.f32 v24, v8  }
0x4b: {  	v3 =	vmul.f32 v3, v13;
	v11 =	vadd.f32 v11, v10;
	v13 =	vsub.f32 v2, v20;
	v2 =	vld [tilespmem:s20+$0xB0];
	(xrf2) =	vadd.scan.msk.f32 $0xffff, v9  }
0x4c: {  	v10 =	vld [tilespmem:s18+$0x60];
	v7 =	vadd.f32 v8, v7  }
0x4d: {  	v23 =	vld [tilespmem:s20+$0x30];
	v11 =	vadd.f32 v3, v11;
	v8 =	vmul.f32 v16, v13  }
0x4e: {  	v13 =	vld [tilespmem:s18+$0x30];
	(xrf2) =	vadd.scan.msk.f32 $0xffff, v7  }
0x4f: {  	v9 =	vld [tilespmem:s18+$0xFFFFFFE0];
	v7 =	vadd.f32 v8, v11;
	v3 =	vmov v12  }
0x50: {  	v37 =	vld [tilespmem:s20+$0xFFFFFFB0]  }
0x51: {  	v38 =	vld [tilespmem:s18+$0xFFFFFFB0];
	(xrf2) =	vadd.scan.msk.f32 $0xffff, v7  }
0x52: {  	v39 =	vld [tilespmem:s20+$0xA0];
	v17, _, _ =	vpop (xrf2)  }
0x53: {  	v40 =	vld [tilespmem:s18+$0xA0]  }
0x54: {  	v7 =	vld [tilespmem:s18+$0xFFFFFF60]  }
0x55: {  	v8 =	vld [tilespmem:s20+$0xFFFFFF30];
	v18, _, _ =	vpop (xrf2)  }
0x56: {  	v12 =	vld [tilespmem:s18+$0x50]  }
0x57: {  	v14 =	vld [tilespmem:s20+$0x20]  }
0x58: {  	s21 =	sadd.s32 $0x2, s17;
	s22 =	sadd.s32 $0x3, s17;
	v19 =	vmov s17;
	v15 =	vld [tilespmem:s18+$0x20];
	v16, _, _ =	vpop (xrf2)  }
0x59: {  	s23 =	sadd.s32 $0x1, s17;
	s17 =	smov.u32 s19;
	v22 =	vmov s21;
	v24 =	vmov s22;
	v11 =	vld [tilespmem:s18+$0xFFFFFFD0];
	v21 =	vbroadcast v16, $0xF  }
0x5a: {  	vm0 =	veq.s32 v19, v0;
	v26 =	vmov s23;
	v25 =	vbroadcast v18, $0xF;
	v16 =	vld [tilespmem:s20+$0xFFFFFFA0]  }
0x5b: {  	v17 =	vbroadcast v17, $0xF;
	v20 =	vld [tilespmem:s18+$0xFFFFFFA0];
	v6 =	vsel vm0, v21, v6;
	vm0 =	veq.s32 v26, v0;
	v19, _, _ =	vpop (xrf2)  }
0x5c: {  	v18 =	vld [tilespmem:s20+$0x90];
	v6 =	vsel vm0, v25, v6;
	vm0 =	veq.s32 v22, v0;
	v21 =	vbroadcast v19, $0xF  }
0x5d: {  	v22 =	vld [tilespmem:s18+$0x90];
	v6 =	vsel vm0, v17, v6;
	vm0 =	veq.s32 v24, v0  }
0x5e: {  	v19 =	vld [tilespmem:s20+$0xFFFFFF20];
	v6 =	vsel vm0, v21, v6  }
0x5f: {  	v21 =	vld [tilespmem:s18+$0xFFFFFF20]  }
0x60: {  	v29 =	vld [tilespmem:s18+$0x40]  }
0x61: {  	v30 =	vld [tilespmem:s20+$0x10]  }
0x62: {  	v31 =	vld [tilespmem:s18+$0x10]  }
0x63: {  	v25 =	vld [tilespmem:s18+$0xFFFFFFC0]  }
0x64: {  	v26 =	vld [tilespmem:s20+$0xFFFFFF90]  }
0x65: {  	v27 =	vld [tilespmem:s18+$0xFFFFFF90]  }
0x66: {  	v24 =	vld [tilespmem:s20+$0x0]  }
0x67: {  	v33 =	vld [tilespmem:s18+$0x0]  }
0x68: {  	v17 =	vld [tilespmem:s20+$0x80]  }
.Ltmp0:
0x69: {  	v34 =	vld [tilespmem:s20+$0xFFFFFF80];
	(pc) =	sbr.rel @p0 .LBB2_3-.Ltmp0, $4  }
0x6a: {  	v35 =	vld [tilespmem:s18+$0xFFFFFF80]  }
0x6b: {  	v28 =	vld [tilespmem:s20+$0xFFFFFF10]  }
0x6c: {  	v32 =	vld [tilespmem:s20+$0xFFFFFF00];
	v36 =	vsub.f32 v24, v33;
	v24 =	vsub.f32 v23, v13  }
0x6d: {  	s19 =	sadd.s32 $0x4, s19;
	v23 =	vsub.f32 v37, v38;
	v13 =	vsub.f32 v39, v40;
	v33 =	vld [tilespmem:s18+$0xFFFFFF00]  }
0x6e: {  	v37 =	vld [tilespmem:s18+$0xFFFFFF10]  }
0x6f: {  	v38 =	vld [tilespmem:s18+$0xFFFFFF40]  }
0x70: {  	v30 =	vsub.f32 v30, v31;
	v41 =	vld [tilespmem:s18+$0x80]  }
0x71: {  	v29 =	vmul.f32 v29, v36;
	v14 =	vsub.f32 v14, v15;
	v16 =	vsub.f32 v16, v20;
	v42 =	vld [tilespmem:s18+$0xFFFFFF50]  }
0x72: {  	v18 =	vsub.f32 v18, v22;
	v26 =	vsub.f32 v26, v27;
	v44 =	vld [tilespmem:s18+$0xC0];
	v5 =	vmul.f32 v5, v24  }
0x73: {  	v45 =	vld [tilespmem:s18+$0xFFFFFF30];
	v39 =	vsub.f32 v34, v35;
	v4 =	vmul.f32 v4, v23;
	v40 =	vadd.f32 $0.0e+00, v29  }
0x74: {  	v52 =	vld [tilespmem:s18+$0xB0];
	v12 =	vmul.f32 v12, v30;
	v10 =	vmul.f32 v10, v14;
	v43 =	vsub.f32 v32, v33  }
0x75: {  	v19 =	vsub.f32 v19, v21;
	v11 =	vmul.f32 v11, v26;
	v25 =	vmul.f32 v25, v39  }
0x76: {  	v48 =	vld [tilespmem:s18+$0xD0];
	v12 =	vadd.f32 v12, v40;
	v47 =	vsub.f32 v28, v37;
	v15 =	vmul.f32 v38, v43  }
0x77: {  	v49 =	vld [tilespmem:s18+$0xFFFFFF70];
	v9 =	vmul.f32 v9, v16;
	v46 =	vadd.f32 $0.0e+00, v25;
	v50 =	vsub.f32 v17, v41  }
0x78: {  	v8 =	vsub.f32 v8, v45;
	v51 =	vmul.f32 v42, v47;
	v15 =	vadd.f32 $0.0e+00, v15  }
0x79: {  	v2 =	vsub.f32 v2, v52;
	v11 =	vadd.f32 v11, v46;
	v53 =	vmul.f32 v44, v50  }
0x7a: {  	v54 =	vld [tilespmem:s18+$0xF0];
	v7 =	vmul.f32 v7, v19;
	v10 =	vadd.f32 v10, v12;
	v15 =	vadd.f32 v51, v15  }
0x7b: {  	v56 =	vmul.f32 v48, v18;
	v9 =	vadd.f32 v9, v11;
	v55 =	vadd.f32 $0.0e+00, v53  }
0x7c: {  	v8 =	vmul.f32 v49, v8;
	v5 =	vadd.f32 v5, v10;
	v7 =	vadd.f32 v7, v15  }
0x7d: {  	v3 =	vmul.f32 v3, v13;
	v4 =	vadd.f32 v4, v9;
	v57 =	vadd.f32 v56, v55  }
0x7e: {  	(xrf2) =	vadd.scan.msk.f32 $0xffff, v5;
	v58 =	vadd.f32 v8, v7  }
0x7f: {  	v2 =	vmul.f32 v54, v2;
	(xrf2) =	vadd.scan.msk.f32 $0xffff, v4;
	v3 =	vadd.f32 v3, v57  }
0x80: {  	(xrf2) =	vadd.scan.msk.f32 $0xffff, v58  }
0x81: {  	v2 =	vadd.f32 v2, v3;
	_ =	sdelay $0x1  }
0x82: {  	(xrf2) =	vadd.scan.msk.f32 $0xffff, v2;
	_ =	sdelay $0x4  }
0x83: {  	v2, _, _ =	vpop (xrf2)  }
0x84: {  	v3, _, _ =	vpop (xrf2)  }
0x85: {  	v59 =	vmov s17;
	s30 =	sadd.s32 $0x2, s17;
	s19 =	sadd.s32 $0x3, s17;
	v5, _, _ =	vpop (xrf2)  }
0x86: {  	s31 =	sadd.s32 $0x1, s17;
	v60 =	vmov s30;
	v61 =	vmov s19;
	v5 =	vbroadcast v5, $0xF  }
0x87: {  	vm0 =	veq.s32 v59, v0;
	v62 =	vmov s31;
	v3 =	vbroadcast v3, $0xF  }
0x88: {  	vm13 =	veq.s32 v62, v0;
	v2 =	vbroadcast v2, $0xF;
	v63, _, _ =	vpop (xrf2);
	v5 =	vsel vm0, v5, v6  }
0x89: {  	vm14 =	veq.s32 v60, v0;
	v4 =	vbroadcast v63, $0xF;
	v3 =	vsel vm13, v3, v5  }
0x8a: {  	vm15 =	veq.s32 v61, v0;
	v2 =	vsel vm14, v2, v3  }
0x8b: {  	v2 =	vsel vm15, v4, v2  }
0x8c: {  	v3 =	vmul.f32 $5.000000000e-01, v2;
	_ =	sdelay $0x1  }
0x8d: {  	v3 =	vmul.f32 $1.442695020e+00, v3;
	_ =	sdelay $0x1  }
0x8e: {  	(erf) = vpow2.f32 v3;
	_ =	sdelay $0x6  }
0x8f: {  	s16 =	sadd.s32 $0x1, s16  }
0x90: {  	p0 =	sne.s32 s16, $0x8  }
.Ltmp1:
0x91: {  	v3 =	vpop (erf);
	(pc) =	sbr.rel @p0 .LBB2_2-.Ltmp1, $4  }
0x92: {  	v3 =	vadd.f32 $-1.000000000e+00, v3  }
0x93: {  	vm0 =	vgt.f32 v2, $0.0e+00  }
0x94: {  	v2 =	vsel vm0, v2, v3  }
0x95: {  	s14 =	sadd.s32 $0x800, s14;
	s15 =	sadd.s32 $0x800, s15;
	v1 =	vadd.f32 v2, v1  }
0x96: {  	s13 =	sadd.s32 $0x1, s13  }
0x97: {  	p0 =	sne.s32 s13, s7  }
.Ltmp2:
0x98: {  	[tilespmem:$0x8080] =	vst v1;
	(pc) =	sbr.rel @p0 .LBB2_1-.Ltmp2, $4  }
0x99: {  	[hbm4b:s6+s2] =	stream.linear.scatter [tilespmem:s12], [sflag:$0x2], $0x80, $0x38;
	[tilespmem:$0x8100] =	vst v63  }
0x9a: {  	_ =	swait.ge [sflag:s8], $0x80  }
0x9b: {  	[sflag:s8] =	ssyncset.done $0x0  }
0x9c: {  	[sflag:s8] =	ssyncadd.s32 $0xFFFFFF80  }
0x9d: {  	_ =	sfence.sel $0x180000  }
0x9e: {  	[bflag:$0x0] =	sbarrier.arrive $0xFFFF  }
0x9f: {  	p0 =	sne.s32 s1, $0x0;
	_ =	strace $0x90000047  }
0xa0: {  	s0 =	sadd.s32 @!p0 $0x100000, s0;
	[bflag:$0x2] =	sbarrier.arrive $0xFFFF  }
0xa1: {  	[sflag:s0] =	ssyncadd.tile.s32 @!p0 $0x1;
	_ =	shalt  }
.Lfunc_end2:
_tile_overlayer_lowered:
.L_overlay_start_2:
0xa2: {  	(tag) =	ssettag $0x2  }
0xa3: {  	s0 =	rddreg [dreg:$0x0];
	s2 =	stileid.u32  }
0xa4: {  	s1 =	rddreg [dreg:$0x1];
	p0 =	sne.s32 s2, $0x0  }
0xa5: {  	s3 =	rddreg [dreg:$0x2];
	[bflag:$0x3] =	sbarrier.arrive $0xFFFF;
	s2 =	simm.s32 @!p0 $0x1C02  }
0xa6: {  	[timem:s3], [sflag:s2] =	dma.local @!p0 [hbm:s0], s1  }
0xa7: {  	s0 =	simm.s32 @!p0 $0x2  }
0xa8: {  	_ =	swait.ge @!p0 [sflag:s0], s1  }
0xa9: {  	s1 =	ssub.s32 @!p0 $0x0, s1;
	[sflag:s0] =	ssyncset.done @!p0 $0x0  }
0xaa: {  	[sflag:s0] =	ssyncadd.s32 @!p0 s1  }
0xab: {  	[bflag:$0x3] =	sbarrier.arrive $0xFFFF  }
0xac: {  	_ =	shalt  }

</sc_bundles>
